<compile_context>
chip_gen: v7x
topology: tpu7x:2x2x1
jax: 0.10.2.dev20260603
libtpu: 0.0.44.dev20260713+nightly
codegen_flags: <defaults>
</compile_context>

<pallas_src>
import functools

import jax
import jax.numpy as jnp
from jax import lax
from jax.experimental import pallas as pl
from jax.experimental.pallas import tpu as pltpu
from jax.experimental.pallas import tpu_sc as plsc

_NUM_DOMAINS = 16
_PREFIX_LEN = 32
_HIDDEN = 2048
_VOCAB = 32000
_BATCH = 4
_SEQ = 2048

_NC, _NS = 2, 16
_NW = _NC * _NS
_TOK = _BATCH * _SEQ
_TPW = _TOK // _NW
_WPB = _NW // _BATCH
_CHUNK = 8
_NCHUNK = _TPW // _CHUNK
_NBUF = 4
_PPW = 8
_PREF_WORKERS = _BATCH * _PREFIX_LEN // _PPW


def _make_body():
  def body(ids_hbm, mask_hbm, dom_hbm, tok_hbm, pref_hbm,
           out_e_hbm, out_m_hbm,
           idx_f, bufs_v, pbuf_v, pstage_v, min_v, mout_v, dom16_v,
           *sems):
    gsem = list(sems[:_NBUF])
    psem = list(sems[_NBUF:])
    c = lax.axis_index("c")
    s = lax.axis_index("s")
    w = c * _NS + s
    b = w // _WPB
    s0 = (w % _WPB) * _TPW

    pltpu.sync_copy(ids_hbm.at[b, pl.ds(s0, _TPW)], idx_f)

    @pl.when(w == _NW - 1)
    def _():
      pltpu.sync_copy(mask_hbm, min_v)
      ones = jnp.ones((16,), jnp.int32)
      for bb in range(_BATCH):
        mout_v[bb, pl.ds(0, 16)] = ones
        mout_v[bb, pl.ds(16, 16)] = ones
      def _mcopy(i, _):
        bb = i // (_SEQ // 16)
        cc = (i % (_SEQ // 16)) * 16
        mout_v[bb, pl.ds(_PREFIX_LEN + cc, 16)] = min_v[bb, pl.ds(cc, 16)]
        return 0
      lax.fori_loop(0, _BATCH * (_SEQ // 16), _mcopy, 0)
      pltpu.sync_copy(mout_v, out_m_hbm)

    @pl.when(s < _PREF_WORKERS // _NC)
    def _():
      pw = c * (_PREF_WORKERS // _NC) + s
      b2 = pw // (_PREFIX_LEN // _PPW)
      pp0 = (pw % (_PREFIX_LEN // _PPW)) * _PPW
      pltpu.sync_copy(dom_hbm, dom16_v.at[pl.ds(0, _BATCH)])
      dvec = dom16_v[pl.ds(b2, 16)]
      dval = dvec[0]
      pltpu.sync_copy(
          pref_hbm.at[dval, pl.ds(pp0 * _HIDDEN, _PPW * _HIDDEN)], pstage_v)
      def _prelocate(i, _):
        rr = i // (_HIDDEN // 16)
        cc = (i % (_HIDDEN // 16)) * 16
        pbuf_v[rr, pl.ds(cc, 16)] = pstage_v[pl.ds(rr * _HIDDEN + cc, 16)]
        return 0
      lax.fori_loop(0, _PPW * (_HIDDEN // 16), _prelocate, 0)
      pltpu.sync_copy(pbuf_v, out_e_hbm.at[b2, pl.ds(pp0, _PPW)])

    def start_gather(j, k):
      return pltpu.async_copy(
          tok_hbm.at[idx_f.at[pl.ds(j * _CHUNK, _CHUNK)]],
          bufs_v.at[k], gsem[k])

    def put_slice(j):
      return out_e_hbm.at[b, pl.ds(_PREFIX_LEN + s0 + j * _CHUNK, _CHUNK)]

    for t in range(_NBUF - 1):
      start_gather(t, t)

    def ring_body(j2, _):
      a = j2 * _NBUF
      for t in range(_NBUF):
        j = a + t
        nj = j + (_NBUF - 1)
        knj = (t + _NBUF - 1) % _NBUF

        @pl.when(nj < _NCHUNK)
        def _():
          @pl.when(nj >= _NBUF)
          def _():
            pltpu.make_async_copy(bufs_v.at[knj], put_slice(nj - _NBUF),
                                  psem[knj]).wait()
          start_gather(nj, knj)

        pltpu.make_async_copy(tok_hbm.at[idx_f.at[pl.ds(j * _CHUNK, _CHUNK)]],
                              bufs_v.at[t], gsem[t]).wait()
        pltpu.async_copy(bufs_v.at[t], put_slice(j), psem[t])
      return 0

    lax.fori_loop(0, _NCHUNK // _NBUF, ring_body, 0)

    for t in range(_NBUF):
      pltpu.make_async_copy(bufs_v.at[t], put_slice(_NCHUNK - _NBUF + t),
                            psem[t]).wait()

  return body


@jax.jit
def _sc_embed(ids, mask, dom, token_table, prefix_table):
  mesh = plsc.VectorSubcoreMesh(core_axis_name="c", subcore_axis_name="s")
  fn = functools.partial(
      pl.kernel,
      out_type=(
          jax.ShapeDtypeStruct((_BATCH, _PREFIX_LEN + _SEQ, _HIDDEN),
                               jnp.float32),
          jax.ShapeDtypeStruct((_BATCH, _PREFIX_LEN + _SEQ), jnp.int32),
      ),
      mesh=mesh,
      scratch_types=[
          pltpu.VMEM((_TPW,), jnp.int32),
          pltpu.VMEM((_NBUF, _CHUNK, _HIDDEN), jnp.float32),
          pltpu.VMEM((_PPW, _HIDDEN), jnp.float32),
          pltpu.VMEM((_PPW * _HIDDEN,), jnp.float32),
          pltpu.VMEM((_BATCH, _SEQ), jnp.int32),
          pltpu.VMEM((_BATCH, _PREFIX_LEN + _SEQ), jnp.int32),
          pltpu.VMEM((32,), jnp.int32),
      ] + [pltpu.SemaphoreType.DMA] * (2 * _NBUF),
  )(_make_body())
  return fn(ids, mask, dom, token_table, prefix_table)


def kernel(input_ids, attention_mask, domain_ids, token_table, prefix_table):
  mask_dtype = attention_mask.dtype
  out_e, out_m = _sc_embed(
      input_ids.astype(jnp.int32), attention_mask.astype(jnp.int32),
      domain_ids.astype(jnp.int32), token_table, prefix_table)
  return out_e, out_m.astype(mask_dtype)

# --- scband reference (transcript-rebuilt; emitter-appended) ---
"""Pipeline reference for scband-domain-prefix-embedding-34557306863745 (READ-ONLY COPY).

The authoritative reference and input builder live on the scoring server;
editing this copy changes nothing except your own understanding.
"""

import jax, jax.numpy as jnp
import numpy as np

NUM_DOMAINS = 16
PREFIX_LEN = 32
HIDDEN = 2048
VOCAB = 32000
BATCH = 4
SEQ = 2048


def setup_inputs(seed: int = 0) -> dict:
    key = jax.random.key(seed)
    k1, k2, k3, k4 = jax.random.split(key, 4)
    input_ids = jax.random.randint(k1, (BATCH, SEQ), 0, VOCAB, dtype=jnp.int64 if jax.config.jax_enable_x64 else jnp.int32)
    attention_mask = jnp.ones((BATCH, SEQ), dtype=input_ids.dtype)
    domain_ids = jax.random.randint(k2, (BATCH,), 0, NUM_DOMAINS, dtype=input_ids.dtype)
    # learned parameters
    token_table = jax.random.normal(k3, (VOCAB, HIDDEN), dtype=jnp.float32) * 0.02
    prefix_table = jax.random.normal(k4, (NUM_DOMAINS, PREFIX_LEN * HIDDEN), dtype=jnp.float32) * 0.02
    return {
        "input_ids": input_ids,
        "attention_mask": attention_mask,
        "domain_ids": domain_ids,
        "token_table": token_table,
        "prefix_table": prefix_table,
    }


def reference(input_ids, attention_mask, domain_ids, token_table, prefix_table):
    batch_size, seq_len = input_ids.shape
    # token embedding lookup (embed_tokens(input_ids))
    token_embeds = jnp.take(token_table, input_ids, axis=0)  # [B, S, H]
    # domain prefix lookup
    prefix_flat = jnp.take(prefix_table, domain_ids, axis=0)  # [B, P*H]
    prefix = prefix_flat.reshape(batch_size, PREFIX_LEN, HIDDEN)  # [B, P, H]
    inputs_embeds = jnp.concatenate([prefix, token_embeds], axis=1)  # [B, P+S, H]
    prefix_mask = jnp.ones((batch_size, PREFIX_LEN), dtype=attention_mask.dtype)
    new_attention_mask = jnp.concatenate([prefix_mask, attention_mask], axis=1)  # [B, P+S]
    return (inputs_embeds, new_attention_mask)

if __name__ == "__main__":
    import jax
    _d = setup_inputs()
    print(jax.jit(kernel)(*tuple(_d.values())))

</pallas_src>

<mosaic_0001>
#map = affine_map<(d0, d1) -> (0, 0)>
#map1 = affine_map<(d0, d1) -> (0)>
#map2 = affine_map<(d0, d1) -> (0, 0, 0)>
module attributes {stable_mosaic.version = 14 : i64} {
  func.func @body(%arg0: i32, %arg1: i32, %arg2: memref<4x2048xi32, #tpu.memory_space<hbm>>, %arg3: memref<4x2048xi32, #tpu.memory_space<hbm>>, %arg4: memref<4xi32, #tpu.memory_space<hbm>>, %arg5: memref<32000x2048xf32, #tpu.memory_space<hbm>>, %arg6: memref<16x65536xf32, #tpu.memory_space<hbm>>, %arg7: memref<4x2080x2048xf32, #tpu.memory_space<hbm>>, %arg8: memref<4x2080xi32, #tpu.memory_space<hbm>>, %arg9: memref<256xi32, #tpu.memory_space<vmem>>, %arg10: memref<4x8x2048xf32, #tpu.memory_space<vmem>>, %arg11: memref<8x2048xf32, #tpu.memory_space<vmem>>, %arg12: memref<16384xf32, #tpu.memory_space<vmem>>, %arg13: memref<4x2048xi32, #tpu.memory_space<vmem>>, %arg14: memref<4x2080xi32, #tpu.memory_space<vmem>>, %arg15: memref<32xi32, #tpu.memory_space<vmem>>, %arg16: memref<!tpu.dma_semaphore, #tpu.memory_space<semaphore_mem>>, %arg17: memref<!tpu.dma_semaphore, #tpu.memory_space<semaphore_mem>>, %arg18: memref<!tpu.dma_semaphore, #tpu.memory_space<semaphore_mem>>, %arg19: memref<!tpu.dma_semaphore, #tpu.memory_space<semaphore_mem>>, %arg20: memref<!tpu.dma_semaphore, #tpu.memory_space<semaphore_mem>>, %arg21: memref<!tpu.dma_semaphore, #tpu.memory_space<semaphore_mem>>, %arg22: memref<!tpu.dma_semaphore, #tpu.memory_space<semaphore_mem>>, %arg23: memref<!tpu.dma_semaphore, #tpu.memory_space<semaphore_mem>>) attributes {dimension_semantics = [#tpu.dimension_semantics<core_parallel>, #tpu.dimension_semantics<subcore_parallel>], iteration_bounds = array<i64: 2, 16>, scalar_prefetch = 0 : i64, scratch_operands = 15 : i64, tpu.core_type = #tpu.core_type<sc_vector_subcore>, window_params = [{transform_indices = #map}, {transform_indices = #map}, {transform_indices = #map1}, {transform_indices = #map}, {transform_indices = #map}, {transform_indices = #map2}, {transform_indices = #map}]} {
    %mul3A = arith.constant 16 : i32
    %mul3A_0 = arith.muli %arg0, %mul3A : i32
    %add3A = arith.addi %mul3A_0, %arg1 : i32
    %jit3A = arith.constant 8 : i32
    %div3A = arith.divsi %add3A, %jit3A : i32
    %sign3A = arith.constant 0 : i32
    %sign3A_1 = arith.cmpi sgt, %add3A, %sign3A : i32
    %sign3A_2 = arith.extui %sign3A_1 : i1 to i32
    %sign3A_3 = arith.constant 0 : i32
    %sign3A_4 = arith.cmpi slt, %add3A, %sign3A_3 : i32
    %sign3A_5 = arith.extui %sign3A_4 : i1 to i32
    %sign3A_6 = arith.subi %sign3A_2, %sign3A_5 : i32
    %sign3A_7 = arith.constant 0 : i32
    %sign3A_8 = arith.cmpi sgt, %jit3A, %sign3A_7 : i32
    %sign3A_9 = arith.extui %sign3A_8 : i1 to i32
    %sign3A_10 = arith.constant 0 : i32
    %sign3A_11 = arith.cmpi slt, %jit3A, %sign3A_10 : i32
    %sign3A_12 = arith.extui %sign3A_11 : i1 to i32
    %sign3A_13 = arith.subi %sign3A_9, %sign3A_12 : i32
    %ne3A = arith.cmpi ne, %sign3A_6, %sign3A_13 : i32
    %rem3A = arith.remsi %add3A, %jit3A : i32
    %ne3A_14 = arith.constant 0 : i32
    %ne3A_15 = arith.cmpi ne, %rem3A, %ne3A_14 : i32
    %and3A = arith.andi %ne3A, %ne3A_15 : i1
    %sub3A = arith.constant 1 : i32
    %sub3A_16 = arith.subi %div3A, %sub3A : i32
    %select_n3A = arith.select %and3A, %sub3A_16, %div3A : i32
    %jit3A_17 = arith.constant 8 : i32
    %eq3A = arith.constant 0 : i32
    %eq3A_18 = arith.cmpi eq, %jit3A_17, %eq3A : i32
    %jit3A_19 = arith.constant 1 : i32
    %select_n3A_20 = arith.select %eq3A_18, %jit3A_19, %jit3A_17 : i32
    %rem3A_21 = arith.remsi %add3A, %select_n3A_20 : i32
    %ne3A_22 = arith.constant 0 : i32
    %ne3A_23 = arith.cmpi ne, %rem3A_21, %ne3A_22 : i32
    %lt3A = arith.constant 0 : i32
    %lt3A_24 = arith.cmpi slt, %rem3A_21, %lt3A : i32
    %lt3A_25 = arith.constant 0 : i32
    %lt3A_26 = arith.cmpi slt, %select_n3A_20, %lt3A_25 : i32
    %ne3A_27 = arith.xori %lt3A_24, %lt3A_26 : i1
    %and3A_28 = arith.andi %ne3A_27, %ne3A_23 : i1
    %add3A_29 = arith.addi %rem3A_21, %select_n3A_20 : i32
    %select_n3A_30 = arith.select %and3A_28, %add3A_29, %rem3A_21 : i32
    %mul3A_31 = arith.constant 256 : i32
    %mul3A_32 = arith.muli %select_n3A_30, %mul3A_31 : i32
    "tpu.region"() ({
      %run_scoped3A = tpu.sem_alloc : memref<!tpu.dma_semaphore, #tpu.memory_space<semaphore_mem>>
      %dma_start3A_151 = tpu.memref_slice %arg2[%select_n3A, %mul3A_32] : memref<4x2048xi32, #tpu.memory_space<hbm>> -> memref<1x256xi32, #tpu.memory_space<hbm>>
      %dma_start3A_152 = tpu.memref_squeeze %dma_start3A_151 : memref<1x256xi32, #tpu.memory_space<hbm>> -> memref<256xi32, #tpu.memory_space<hbm>>
      %dma_start3A_153 = tpu.memref_slice %arg2[%select_n3A, %mul3A_32] : memref<4x2048xi32, #tpu.memory_space<hbm>> -> memref<1x256xi32, #tpu.memory_space<hbm>>
      %dma_start3A_154 = tpu.memref_squeeze %dma_start3A_153 : memref<1x256xi32, #tpu.memory_space<hbm>> -> memref<256xi32, #tpu.memory_space<hbm>>
      tpu.enqueue_dma source(%dma_start3A_154 : memref<256xi32, #tpu.memory_space<hbm>>) target(%arg9 : memref<256xi32, #tpu.memory_space<vmem>>) target_semaphore(%run_scoped3A : memref<!tpu.dma_semaphore, #tpu.memory_space<semaphore_mem>>)
      %dma_wait3A_155 = tpu.memref_slice %arg2[%select_n3A, %mul3A_32] : memref<4x2048xi32, #tpu.memory_space<hbm>> -> memref<1x256xi32, #tpu.memory_space<hbm>>
      %dma_wait3A_156 = tpu.memref_squeeze %dma_wait3A_155 : memref<1x256xi32, #tpu.memory_space<hbm>> -> memref<256xi32, #tpu.memory_space<hbm>>
      %dma_wait3A_157 = tpu.memref_slice %arg2[%select_n3A, %mul3A_32] : memref<4x2048xi32, #tpu.memory_space<hbm>> -> memref<1x256xi32, #tpu.memory_space<hbm>>
      %dma_wait3A_158 = tpu.memref_squeeze %dma_wait3A_157 : memref<1x256xi32, #tpu.memory_space<hbm>> -> memref<256xi32, #tpu.memory_space<hbm>>
      tpu.wait_dma2 semaphore(%run_scoped3A : memref<!tpu.dma_semaphore, #tpu.memory_space<semaphore_mem>>) src(%dma_wait3A_158 : memref<256xi32, #tpu.memory_space<hbm>>) dst(%arg9 : memref<256xi32, #tpu.memory_space<vmem>>)
      tpu.yield
    }) : () -> ()
    %eq3A_33 = arith.constant 31 : i32
    %eq3A_34 = arith.cmpi eq, %add3A, %eq3A_33 : i32
    %convert_element_type3A = arith.extui %eq3A_34 : i1 to i32
    %cond3A = arith.constant 0 : i32
    %cond3A_35 = arith.cmpi ne, %convert_element_type3A, %cond3A : i32
    scf.if %cond3A_35 {
      "tpu.region"() ({
        %run_scoped3A = tpu.sem_alloc : memref<!tpu.dma_semaphore, #tpu.memory_space<semaphore_mem>>
        tpu.enqueue_dma source(%arg3 : memref<4x2048xi32, #tpu.memory_space<hbm>>) target(%arg13 : memref<4x2048xi32, #tpu.memory_space<vmem>>) target_semaphore(%run_scoped3A : memref<!tpu.dma_semaphore, #tpu.memory_space<semaphore_mem>>)
        tpu.wait_dma2 semaphore(%run_scoped3A : memref<!tpu.dma_semaphore, #tpu.memory_space<semaphore_mem>>) src(%arg3 : memref<4x2048xi32, #tpu.memory_space<hbm>>) dst(%arg13 : memref<4x2048xi32, #tpu.memory_space<vmem>>)
        tpu.yield
      }) : () -> ()
      %broadcast_in_dim3A = arith.constant 1 : i32
      %broadcast_in_dim3A_151 = vector.broadcast %broadcast_in_dim3A : i32 to vector<16xi32>
      %swap3A = arith.constant 0 : i32
      %swap3A_152 = arith.index_cast %swap3A : i32 to index
      %swap3A_153 = arith.constant 0 : index
      %swap3A_154 = tpu.vector_load %arg14[%swap3A_152, %swap3A_153] {strides = array<i32>} : memref<4x2080xi32, #tpu.memory_space<vmem>>, vector<1x16xi32>,
      %swap3A_155 = vector.shape_cast %swap3A_154 : vector<1x16xi32> to vector<16xi32>
      %swap3A_156 = vector.shape_cast %broadcast_in_dim3A_151 : vector<16xi32> to vector<1x16xi32>
      tpu.vector_store %arg14[%swap3A_152, %swap3A_153], %swap3A_156 {strides = array<i32>} : memref<4x2080xi32, #tpu.memory_space<vmem>>, vector<1x16xi32>,
      %swap3A_157 = arith.constant 0 : i32
      %swap3A_158 = arith.index_cast %swap3A_157 : i32 to index
      %swap3A_159 = arith.constant 16 : index
      %swap3A_160 = tpu.vector_load %arg14[%swap3A_158, %swap3A_159] {strides = array<i32>} : memref<4x2080xi32, #tpu.memory_space<vmem>>, vector<1x16xi32>,
      %swap3A_161 = vector.shape_cast %swap3A_160 : vector<1x16xi32> to vector<16xi32>
      %swap3A_162 = vector.shape_cast %broadcast_in_dim3A_151 : vector<16xi32> to vector<1x16xi32>
      tpu.vector_store %arg14[%swap3A_158, %swap3A_159], %swap3A_162 {strides = array<i32>} : memref<4x2080xi32, #tpu.memory_space<vmem>>, vector<1x16xi32>,
      %swap3A_163 = arith.constant 1 : i32
      %swap3A_164 = arith.index_cast %swap3A_163 : i32 to index
      %swap3A_165 = arith.constant 0 : index
      %swap3A_166 = tpu.vector_load %arg14[%swap3A_164, %swap3A_165] {strides = array<i32>} : memref<4x2080xi32, #tpu.memory_space<vmem>>, vector<1x16xi32>,
      %swap3A_167 = vector.shape_cast %swap3A_166 : vector<1x16xi32> to vector<16xi32>
      %swap3A_168 = vector.shape_cast %broadcast_in_dim3A_151 : vector<16xi32> to vector<1x16xi32>
      tpu.vector_store %arg14[%swap3A_164, %swap3A_165], %swap3A_168 {strides = array<i32>} : memref<4x2080xi32, #tpu.memory_space<vmem>>, vector<1x16xi32>,
      %swap3A_169 = arith.constant 1 : i32
      %swap3A_170 = arith.index_cast %swap3A_169 : i32 to index
      %swap3A_171 = arith.constant 16 : index
      %swap3A_172 = tpu.vector_load %arg14[%swap3A_170, %swap3A_171] {strides = array<i32>} : memref<4x2080xi32, #tpu.memory_space<vmem>>, vector<1x16xi32>,
      %swap3A_173 = vector.shape_cast %swap3A_172 : vector<1x16xi32> to vector<16xi32>
      %swap3A_174 = vector.shape_cast %broadcast_in_dim3A_151 : vector<16xi32> to vector<1x16xi32>
      tpu.vector_store %arg14[%swap3A_170, %swap3A_171], %swap3A_174 {strides = array<i32>} : memref<4x2080xi32, #tpu.memory_space<vmem>>, vector<1x16xi32>,
      %swap3A_175 = arith.constant 2 : i32
      %swap3A_176 = arith.index_cast %swap3A_175 : i32 to index
      %swap3A_177 = arith.constant 0 : index
      %swap3A_178 = tpu.vector_load %arg14[%swap3A_176, %swap3A_177] {strides = array<i32>} : memref<4x2080xi32, #tpu.memory_space<vmem>>, vector<1x16xi32>,
      %swap3A_179 = vector.shape_cast %swap3A_178 : vector<1x16xi32> to vector<16xi32>
      %swap3A_180 = vector.shape_cast %broadcast_in_dim3A_151 : vector<16xi32> to vector<1x16xi32>
      tpu.vector_store %arg14[%swap3A_176, %swap3A_177], %swap3A_180 {strides = array<i32>} : memref<4x2080xi32, #tpu.memory_space<vmem>>, vector<1x16xi32>,
      %swap3A_181 = arith.constant 2 : i32
      %swap3A_182 = arith.index_cast %swap3A_181 : i32 to index
      %swap3A_183 = arith.constant 16 : index
      %swap3A_184 = tpu.vector_load %arg14[%swap3A_182, %swap3A_183] {strides = array<i32>} : memref<4x2080xi32, #tpu.memory_space<vmem>>, vector<1x16xi32>,
      %swap3A_185 = vector.shape_cast %swap3A_184 : vector<1x16xi32> to vector<16xi32>
      %swap3A_186 = vector.shape_cast %broadcast_in_dim3A_151 : vector<16xi32> to vector<1x16xi32>
      tpu.vector_store %arg14[%swap3A_182, %swap3A_183], %swap3A_186 {strides = array<i32>} : memref<4x2080xi32, #tpu.memory_space<vmem>>, vector<1x16xi32>,
      %swap3A_187 = arith.constant 3 : i32
      %swap3A_188 = arith.index_cast %swap3A_187 : i32 to index
      %swap3A_189 = arith.constant 0 : index
      %swap3A_190 = tpu.vector_load %arg14[%swap3A_188, %swap3A_189] {strides = array<i32>} : memref<4x2080xi32, #tpu.memory_space<vmem>>, vector<1x16xi32>,
      %swap3A_191 = vector.shape_cast %swap3A_190 : vector<1x16xi32> to vector<16xi32>
      %swap3A_192 = vector.shape_cast %broadcast_in_dim3A_151 : vector<16xi32> to vector<1x16xi32>
      tpu.vector_store %arg14[%swap3A_188, %swap3A_189], %swap3A_192 {strides = array<i32>} : memref<4x2080xi32, #tpu.memory_space<vmem>>, vector<1x16xi32>,
      %swap3A_193 = arith.constant 3 : i32
      %swap3A_194 = arith.index_cast %swap3A_193 : i32 to index
      %swap3A_195 = arith.constant 16 : index
      %swap3A_196 = tpu.vector_load %arg14[%swap3A_194, %swap3A_195] {strides = array<i32>} : memref<4x2080xi32, #tpu.memory_space<vmem>>, vector<1x16xi32>,
      %swap3A_197 = vector.shape_cast %swap3A_196 : vector<1x16xi32> to vector<16xi32>
      %swap3A_198 = vector.shape_cast %broadcast_in_dim3A_151 : vector<16xi32> to vector<1x16xi32>
      tpu.vector_store %arg14[%swap3A_194, %swap3A_195], %swap3A_198 {strides = array<i32>} : memref<4x2080xi32, #tpu.memory_space<vmem>>, vector<1x16xi32>,
      %scan3A_199 = arith.constant 0 : i32
      %scan3A_200 = arith.constant 0 : i32
      %scan3A_201 = arith.constant 512 : i32
      %scan3A_202 = arith.addi %scan3A_200, %scan3A_201 : i32
      %scan3A_203 = arith.constant 1 : i32
      %scan3A_204 = scf.for %scan3A_206 = %scan3A_200 to %scan3A_202 step %scan3A_203 iter_args(%scan3A_207 = %scan3A_199) -> (i32)  : i32 {
        %jit3A_208 = arith.constant 128 : i32
        %div3A_209 = arith.divsi %scan3A_206, %jit3A_208 : i32
        %sign3A_210 = arith.constant 0 : i32
        %sign3A_211 = arith.cmpi sgt, %scan3A_206, %sign3A_210 : i32
        %sign3A_212 = arith.extui %sign3A_211 : i1 to i32
        %sign3A_213 = arith.constant 0 : i32
        %sign3A_214 = arith.cmpi slt, %scan3A_206, %sign3A_213 : i32
        %sign3A_215 = arith.extui %sign3A_214 : i1 to i32
        %sign3A_216 = arith.subi %sign3A_212, %sign3A_215 : i32
        %sign3A_217 = arith.constant 0 : i32
        %sign3A_218 = arith.cmpi sgt, %jit3A_208, %sign3A_217 : i32
        %sign3A_219 = arith.extui %sign3A_218 : i1 to i32
        %sign3A_220 = arith.constant 0 : i32
        %sign3A_221 = arith.cmpi slt, %jit3A_208, %sign3A_220 : i32
        %sign3A_222 = arith.extui %sign3A_221 : i1 to i32
        %sign3A_223 = arith.subi %sign3A_219, %sign3A_222 : i32
        %ne3A_224 = arith.cmpi ne, %sign3A_216, %sign3A_223 : i32
        %rem3A_225 = arith.remsi %scan3A_206, %jit3A_208 : i32
        %ne3A_226 = arith.constant 0 : i32
        %ne3A_227 = arith.cmpi ne, %rem3A_225, %ne3A_226 : i32
        %and3A_228 = arith.andi %ne3A_224, %ne3A_227 : i1
        %sub3A_229 = arith.constant 1 : i32
        %sub3A_230 = arith.subi %div3A_209, %sub3A_229 : i32
        %select_n3A_231 = arith.select %and3A_228, %sub3A_230, %div3A_209 : i32
        %jit3A_232 = arith.constant 128 : i32
        %eq3A_233 = arith.constant 0 : i32
        %eq3A_234 = arith.cmpi eq, %jit3A_232, %eq3A_233 : i32
        %jit3A_235 = arith.constant 1 : i32
        %select_n3A_236 = arith.select %eq3A_234, %jit3A_235, %jit3A_232 : i32
        %rem3A_237 = arith.remsi %scan3A_206, %select_n3A_236 : i32
        %ne3A_238 = arith.constant 0 : i32
        %ne3A_239 = arith.cmpi ne, %rem3A_237, %ne3A_238 : i32
        %lt3A_240 = arith.constant 0 : i32
        %lt3A_241 = arith.cmpi slt, %rem3A_237, %lt3A_240 : i32
        %lt3A_242 = arith.constant 0 : i32
        %lt3A_243 = arith.cmpi slt, %select_n3A_236, %lt3A_242 : i32
        %ne3A_244 = arith.xori %lt3A_241, %lt3A_243 : i1
        %and3A_245 = arith.andi %ne3A_244, %ne3A_239 : i1
        %add3A_246 = arith.addi %rem3A_237, %select_n3A_236 : i32
        %select_n3A_247 = arith.select %and3A_245, %add3A_246, %rem3A_237 : i32
        %mul3A_248 = arith.constant 16 : i32
        %mul3A_249 = arith.muli %select_n3A_247, %mul3A_248 : i32
        %get3A = arith.index_cast %select_n3A_231 : i32 to index
        %get3A_250 = arith.index_cast %mul3A_249 : i32 to index
        %get3A_251 = tpu.vector_load %arg13[%get3A, %get3A_250] {strides = array<i32>} : memref<4x2048xi32, #tpu.memory_space<vmem>>, vector<1x16xi32>,
        %get3A_252 = vector.shape_cast %get3A_251 : vector<1x16xi32> to vector<16xi32>
        %add3A_253 = arith.constant 32 : i32
        %add3A_254 = arith.addi %add3A_253, %mul3A_249 : i32
        %swap3A_255 = arith.index_cast %select_n3A_231 : i32 to index
        %swap3A_256 = arith.index_cast %add3A_254 : i32 to index
        %swap3A_257 = tpu.vector_load %arg14[%swap3A_255, %swap3A_256] {strides = array<i32>} : memref<4x2080xi32, #tpu.memory_space<vmem>>, vector<1x16xi32>,
        %swap3A_258 = vector.shape_cast %swap3A_257 : vector<1x16xi32> to vector<16xi32>
        %swap3A_259 = vector.shape_cast %get3A_252 : vector<16xi32> to vector<1x16xi32>
        tpu.vector_store %arg14[%swap3A_255, %swap3A_256], %swap3A_259 {strides = array<i32>} : memref<4x2080xi32, #tpu.memory_space<vmem>>, vector<1x16xi32>,
        %scan3A_260 = arith.constant 0 : i32
        scf.yield %scan3A_260 : i32
      }
      %scan3A_205 = arith.constant 512 : i32
      "tpu.region"() ({
        %run_scoped3A = tpu.sem_alloc : memref<!tpu.dma_semaphore, #tpu.memory_space<semaphore_mem>>
        tpu.enqueue_dma source(%arg14 : memref<4x2080xi32, #tpu.memory_space<vmem>>) target(%arg8 : memref<4x2080xi32, #tpu.memory_space<hbm>>) target_semaphore(%run_scoped3A : memref<!tpu.dma_semaphore, #tpu.memory_space<semaphore_mem>>)
        tpu.wait_dma2 semaphore(%run_scoped3A : memref<!tpu.dma_semaphore, #tpu.memory_space<semaphore_mem>>) src(%arg14 : memref<4x2080xi32, #tpu.memory_space<vmem>>) dst(%arg8 : memref<4x2080xi32, #tpu.memory_space<hbm>>)
        tpu.yield
      }) : () -> ()
    } else {
    }
    %lt3A_36 = arith.constant 8 : i32
    %lt3A_37 = arith.cmpi slt, %arg1, %lt3A_36 : i32
    %convert_element_type3A_38 = arith.extui %lt3A_37 : i1 to i32
    %cond3A_39 = arith.constant 0 : i32
    %cond3A_40 = arith.cmpi ne, %convert_element_type3A_38, %cond3A_39 : i32
    scf.if %cond3A_40 {
      %mul3A_151 = arith.constant 8 : i32
      %mul3A_152 = arith.muli %arg0, %mul3A_151 : i32
      %add3A_153 = arith.addi %mul3A_152, %arg1 : i32
      %jit3A_154 = arith.constant 4 : i32
      %div3A_155 = arith.divsi %add3A_153, %jit3A_154 : i32
      %sign3A_156 = arith.constant 0 : i32
      %sign3A_157 = arith.cmpi sgt, %add3A_153, %sign3A_156 : i32
      %sign3A_158 = arith.extui %sign3A_157 : i1 to i32
      %sign3A_159 = arith.constant 0 : i32
      %sign3A_160 = arith.cmpi slt, %add3A_153, %sign3A_159 : i32
      %sign3A_161 = arith.extui %sign3A_160 : i1 to i32
      %sign3A_162 = arith.subi %sign3A_158, %sign3A_161 : i32
      %sign3A_163 = arith.constant 0 : i32
      %sign3A_164 = arith.cmpi sgt, %jit3A_154, %sign3A_163 : i32
      %sign3A_165 = arith.extui %sign3A_164 : i1 to i32
      %sign3A_166 = arith.constant 0 : i32
      %sign3A_167 = arith.cmpi slt, %jit3A_154, %sign3A_166 : i32
      %sign3A_168 = arith.extui %sign3A_167 : i1 to i32
      %sign3A_169 = arith.subi %sign3A_165, %sign3A_168 : i32
      %ne3A_170 = arith.cmpi ne, %sign3A_162, %sign3A_169 : i32
      %rem3A_171 = arith.remsi %add3A_153, %jit3A_154 : i32
      %ne3A_172 = arith.constant 0 : i32
      %ne3A_173 = arith.cmpi ne, %rem3A_171, %ne3A_172 : i32
      %and3A_174 = arith.andi %ne3A_170, %ne3A_173 : i1
      %sub3A_175 = arith.constant 1 : i32
      %sub3A_176 = arith.subi %div3A_155, %sub3A_175 : i32
      %select_n3A_177 = arith.select %and3A_174, %sub3A_176, %div3A_155 : i32
      %jit3A_178 = arith.constant 4 : i32
      %eq3A_179 = arith.constant 0 : i32
      %eq3A_180 = arith.cmpi eq, %jit3A_178, %eq3A_179 : i32
      %jit3A_181 = arith.constant 1 : i32
      %select_n3A_182 = arith.select %eq3A_180, %jit3A_181, %jit3A_178 : i32
      %rem3A_183 = arith.remsi %add3A_153, %select_n3A_182 : i32
      %ne3A_184 = arith.constant 0 : i32
      %ne3A_185 = arith.cmpi ne, %rem3A_183, %ne3A_184 : i32
      %lt3A_186 = arith.constant 0 : i32
      %lt3A_187 = arith.cmpi slt, %rem3A_183, %lt3A_186 : i32
      %lt3A_188 = arith.constant 0 : i32
      %lt3A_189 = arith.cmpi slt, %select_n3A_182, %lt3A_188 : i32
      %ne3A_190 = arith.xori %lt3A_187, %lt3A_189 : i1
      %and3A_191 = arith.andi %ne3A_190, %ne3A_185 : i1
      %add3A_192 = arith.addi %rem3A_183, %select_n3A_182 : i32
      %select_n3A_193 = arith.select %and3A_191, %add3A_192, %rem3A_183 : i32
      %mul3A_194 = arith.constant 8 : i32
      %mul3A_195 = arith.muli %select_n3A_193, %mul3A_194 : i32
      "tpu.region"() ({
        %run_scoped3A = tpu.sem_alloc : memref<!tpu.dma_semaphore, #tpu.memory_space<semaphore_mem>>
        %dma_start3A_207 = arith.constant 0 : i32
        %dma_start3A_208 = tpu.memref_slice %arg15[%dma_start3A_207] : memref<32xi32, #tpu.memory_space<vmem>> -> memref<4xi32, #tpu.memory_space<vmem>>
        %dma_start3A_209 = arith.constant 0 : i32
        %dma_start3A_210 = tpu.memref_slice %arg15[%dma_start3A_209] : memref<32xi32, #tpu.memory_space<vmem>> -> memref<4xi32, #tpu.memory_space<vmem>>
        tpu.enqueue_dma source(%arg4 : memref<4xi32, #tpu.memory_space<hbm>>) target(%dma_start3A_210 : memref<4xi32, #tpu.memory_space<vmem>>) target_semaphore(%run_scoped3A : memref<!tpu.dma_semaphore, #tpu.memory_space<semaphore_mem>>)
        %dma_wait3A_211 = arith.constant 0 : i32
        %dma_wait3A_212 = tpu.memref_slice %arg15[%dma_wait3A_211] : memref<32xi32, #tpu.memory_space<vmem>> -> memref<4xi32, #tpu.memory_space<vmem>>
        %dma_wait3A_213 = arith.constant 0 : i32
        %dma_wait3A_214 = tpu.memref_slice %arg15[%dma_wait3A_213] : memref<32xi32, #tpu.memory_space<vmem>> -> memref<4xi32, #tpu.memory_space<vmem>>
        tpu.wait_dma2 semaphore(%run_scoped3A : memref<!tpu.dma_semaphore, #tpu.memory_space<semaphore_mem>>) src(%arg4 : memref<4xi32, #tpu.memory_space<hbm>>) dst(%dma_wait3A_214 : memref<4xi32, #tpu.memory_space<vmem>>)
        tpu.yield
      }) : () -> ()
      %get3A = arith.index_cast %select_n3A_177 : i32 to index
      %get3A_196 = tpu.vector_load %arg15[%get3A] {strides = array<i32>} : memref<32xi32, #tpu.memory_space<vmem>>, vector<16xi32>,
      %get3A_197 = vector.shape_cast %get3A_196 : vector<16xi32> to vector<16xi32>
      %slice3A = vector.extract_strided_slice %get3A_197 {offsets = [0], sizes = [1], strides = [1]} : vector<16xi32> to vector<1xi32>
      %squeeze3A = vector.extract %slice3A[0] : i32 from vector<1xi32>
      %mul3A_198 = arith.constant 2048 : i32
      %mul3A_199 = arith.muli %mul3A_195, %mul3A_198 : i32
      "tpu.region"() ({
        %run_scoped3A = tpu.sem_alloc : memref<!tpu.dma_semaphore, #tpu.memory_space<semaphore_mem>>
        %dma_start3A_207 = tpu.memref_slice %arg6[%squeeze3A, %mul3A_199] : memref<16x65536xf32, #tpu.memory_space<hbm>> -> memref<1x16384xf32, #tpu.memory_space<hbm>>
        %dma_start3A_208 = tpu.memref_squeeze %dma_start3A_207 : memref<1x16384xf32, #tpu.memory_space<hbm>> -> memref<16384xf32, #tpu.memory_space<hbm>>
        %dma_start3A_209 = tpu.memref_slice %arg6[%squeeze3A, %mul3A_199] : memref<16x65536xf32, #tpu.memory_space<hbm>> -> memref<1x16384xf32, #tpu.memory_space<hbm>>
        %dma_start3A_210 = tpu.memref_squeeze %dma_start3A_209 : memref<1x16384xf32, #tpu.memory_space<hbm>> -> memref<16384xf32, #tpu.memory_space<hbm>>
        tpu.enqueue_dma source(%dma_start3A_210 : memref<16384xf32, #tpu.memory_space<hbm>>) target(%arg12 : memref<16384xf32, #tpu.memory_space<vmem>>) target_semaphore(%run_scoped3A : memref<!tpu.dma_semaphore, #tpu.memory_space<semaphore_mem>>)
        %dma_wait3A_211 = tpu.memref_slice %arg6[%squeeze3A, %mul3A_199] : memref<16x65536xf32, #tpu.memory_space<hbm>> -> memref<1x16384xf32, #tpu.memory_space<hbm>>
        %dma_wait3A_212 = tpu.memref_squeeze %dma_wait3A_211 : memref<1x16384xf32, #tpu.memory_space<hbm>> -> memref<16384xf32, #tpu.memory_space<hbm>>
        %dma_wait3A_213 = tpu.memref_slice %arg6[%squeeze3A, %mul3A_199] : memref<16x65536xf32, #tpu.memory_space<hbm>> -> memref<1x16384xf32, #tpu.memory_space<hbm>>
        %dma_wait3A_214 = tpu.memref_squeeze %dma_wait3A_213 : memref<1x16384xf32, #tpu.memory_space<hbm>> -> memref<16384xf32, #tpu.memory_space<hbm>>
        tpu.wait_dma2 semaphore(%run_scoped3A : memref<!tpu.dma_semaphore, #tpu.memory_space<semaphore_mem>>) src(%dma_wait3A_214 : memref<16384xf32, #tpu.memory_space<hbm>>) dst(%arg12 : memref<16384xf32, #tpu.memory_space<vmem>>)
        tpu.yield
      }) : () -> ()
      %scan3A_200 = arith.constant 0 : i32
      %scan3A_201 = arith.constant 0 : i32
      %scan3A_202 = arith.constant 1024 : i32
      %scan3A_203 = arith.addi %scan3A_201, %scan3A_202 : i32
      %scan3A_204 = arith.constant 1 : i32
      %scan3A_205 = scf.for %scan3A_207 = %scan3A_201 to %scan3A_203 step %scan3A_204 iter_args(%scan3A_208 = %scan3A_200) -> (i32)  : i32 {
        %jit3A_209 = arith.constant 128 : i32
        %div3A_210 = arith.divsi %scan3A_207, %jit3A_209 : i32
        %sign3A_211 = arith.constant 0 : i32
        %sign3A_212 = arith.cmpi sgt, %scan3A_207, %sign3A_211 : i32
        %sign3A_213 = arith.extui %sign3A_212 : i1 to i32
        %sign3A_214 = arith.constant 0 : i32
        %sign3A_215 = arith.cmpi slt, %scan3A_207, %sign3A_214 : i32
        %sign3A_216 = arith.extui %sign3A_215 : i1 to i32
        %sign3A_217 = arith.subi %sign3A_213, %sign3A_216 : i32
        %sign3A_218 = arith.constant 0 : i32
        %sign3A_219 = arith.cmpi sgt, %jit3A_209, %sign3A_218 : i32
        %sign3A_220 = arith.extui %sign3A_219 : i1 to i32
        %sign3A_221 = arith.constant 0 : i32
        %sign3A_222 = arith.cmpi slt, %jit3A_209, %sign3A_221 : i32
        %sign3A_223 = arith.extui %sign3A_222 : i1 to i32
        %sign3A_224 = arith.subi %sign3A_220, %sign3A_223 : i32
        %ne3A_225 = arith.cmpi ne, %sign3A_217, %sign3A_224 : i32
        %rem3A_226 = arith.remsi %scan3A_207, %jit3A_209 : i32
        %ne3A_227 = arith.constant 0 : i32
        %ne3A_228 = arith.cmpi ne, %rem3A_226, %ne3A_227 : i32
        %and3A_229 = arith.andi %ne3A_225, %ne3A_228 : i1
        %sub3A_230 = arith.constant 1 : i32
        %sub3A_231 = arith.subi %div3A_210, %sub3A_230 : i32
        %select_n3A_232 = arith.select %and3A_229, %sub3A_231, %div3A_210 : i32
        %jit3A_233 = arith.constant 128 : i32
        %eq3A_234 = arith.constant 0 : i32
        %eq3A_235 = arith.cmpi eq, %jit3A_233, %eq3A_234 : i32
        %jit3A_236 = arith.constant 1 : i32
        %select_n3A_237 = arith.select %eq3A_235, %jit3A_236, %jit3A_233 : i32
        %rem3A_238 = arith.remsi %scan3A_207, %select_n3A_237 : i32
        %ne3A_239 = arith.constant 0 : i32
        %ne3A_240 = arith.cmpi ne, %rem3A_238, %ne3A_239 : i32
        %lt3A_241 = arith.constant 0 : i32
        %lt3A_242 = arith.cmpi slt, %rem3A_238, %lt3A_241 : i32
        %lt3A_243 = arith.constant 0 : i32
        %lt3A_244 = arith.cmpi slt, %select_n3A_237, %lt3A_243 : i32
        %ne3A_245 = arith.xori %lt3A_242, %lt3A_244 : i1
        %and3A_246 = arith.andi %ne3A_245, %ne3A_240 : i1
        %add3A_247 = arith.addi %rem3A_238, %select_n3A_237 : i32
        %select_n3A_248 = arith.select %and3A_246, %add3A_247, %rem3A_238 : i32
        %mul3A_249 = arith.constant 16 : i32
        %mul3A_250 = arith.muli %select_n3A_248, %mul3A_249 : i32
        %mul3A_251 = arith.constant 2048 : i32
        %mul3A_252 = arith.muli %select_n3A_232, %mul3A_251 : i32
        %add3A_253 = arith.addi %mul3A_252, %mul3A_250 : i32
        %get3A_254 = arith.index_cast %add3A_253 : i32 to index
        %get3A_255 = tpu.vector_load %arg12[%get3A_254] {strides = array<i32>} : memref<16384xf32, #tpu.memory_space<vmem>>, vector<16xf32>,
        %get3A_256 = vector.shape_cast %get3A_255 : vector<16xf32> to vector<16xf32>
        %swap3A = arith.index_cast %select_n3A_232 : i32 to index
        %swap3A_257 = arith.index_cast %mul3A_250 : i32 to index
        %swap3A_258 = tpu.vector_load %arg11[%swap3A, %swap3A_257] {strides = array<i32>} : memref<8x2048xf32, #tpu.memory_space<vmem>>, vector<1x16xf32>,
        %swap3A_259 = vector.shape_cast %swap3A_258 : vector<1x16xf32> to vector<16xf32>
        %swap3A_260 = vector.shape_cast %get3A_256 : vector<16xf32> to vector<1x16xf32>
        tpu.vector_store %arg11[%swap3A, %swap3A_257], %swap3A_260 {strides = array<i32>} : memref<8x2048xf32, #tpu.memory_space<vmem>>, vector<1x16xf32>,
        %scan3A_261 = arith.constant 0 : i32
        scf.yield %scan3A_261 : i32
      }
      %scan3A_206 = arith.constant 1024 : i32
      "tpu.region"() ({
        %run_scoped3A = tpu.sem_alloc : memref<!tpu.dma_semaphore, #tpu.memory_space<semaphore_mem>>
        %dma_start3A_207 = arith.constant 0 : i32
        %dma_start3A_208 = tpu.memref_slice %arg7[%select_n3A_177, %mul3A_195, %dma_start3A_207] : memref<4x2080x2048xf32, #tpu.memory_space<hbm>> -> memref<1x8x2048xf32, #tpu.memory_space<hbm>>
        %dma_start3A_209 = tpu.memref_squeeze %dma_start3A_208 : memref<1x8x2048xf32, #tpu.memory_space<hbm>> -> memref<8x2048xf32, #tpu.memory_space<hbm>>
        %dma_start3A_210 = arith.constant 0 : i32
        %dma_start3A_211 = tpu.memref_slice %arg7[%select_n3A_177, %mul3A_195, %dma_start3A_210] : memref<4x2080x2048xf32, #tpu.memory_space<hbm>> -> memref<1x8x2048xf32, #tpu.memory_space<hbm>>
        %dma_start3A_212 = tpu.memref_squeeze %dma_start3A_211 : memref<1x8x2048xf32, #tpu.memory_space<hbm>> -> memref<8x2048xf32, #tpu.memory_space<hbm>>
        tpu.enqueue_dma source(%arg11 : memref<8x2048xf32, #tpu.memory_space<vmem>>) target(%dma_start3A_212 : memref<8x2048xf32, #tpu.memory_space<hbm>>) target_semaphore(%run_scoped3A : memref<!tpu.dma_semaphore, #tpu.memory_space<semaphore_mem>>)
        %dma_wait3A_213 = arith.constant 0 : i32
        %dma_wait3A_214 = tpu.memref_slice %arg7[%select_n3A_177, %mul3A_195, %dma_wait3A_213] : memref<4x2080x2048xf32, #tpu.memory_space<hbm>> -> memref<1x8x2048xf32, #tpu.memory_space<hbm>>
        %dma_wait3A_215 = tpu.memref_squeeze %dma_wait3A_214 : memref<1x8x2048xf32, #tpu.memory_space<hbm>> -> memref<8x2048xf32, #tpu.memory_space<hbm>>
        %dma_wait3A_216 = arith.constant 0 : i32
        %dma_wait3A_217 = tpu.memref_slice %arg7[%select_n3A_177, %mul3A_195, %dma_wait3A_216] : memref<4x2080x2048xf32, #tpu.memory_space<hbm>> -> memref<1x8x2048xf32, #tpu.memory_space<hbm>>
        %dma_wait3A_218 = tpu.memref_squeeze %dma_wait3A_217 : memref<1x8x2048xf32, #tpu.memory_space<hbm>> -> memref<8x2048xf32, #tpu.memory_space<hbm>>
        tpu.wait_dma2 semaphore(%run_scoped3A : memref<!tpu.dma_semaphore, #tpu.memory_space<semaphore_mem>>) src(%arg11 : memref<8x2048xf32, #tpu.memory_space<vmem>>) dst(%dma_wait3A_218 : memref<8x2048xf32, #tpu.memory_space<hbm>>)
        tpu.yield
      }) : () -> ()
    } else {
    }
    %dma_start3A = arith.constant 0 : i32
    %dma_start3A_41 = arith.constant 0 : i32
    %dma_start3A_42 = arith.constant 0 : i32
    %dma_start3A_43 = tpu.memref_slice %arg10[%dma_start3A, %dma_start3A_41, %dma_start3A_42] : memref<4x8x2048xf32, #tpu.memory_space<vmem>> -> memref<1x8x2048xf32, #tpu.memory_space<vmem>>
    %dma_start3A_44 = tpu.memref_squeeze %dma_start3A_43 : memref<1x8x2048xf32, #tpu.memory_space<vmem>> -> memref<8x2048xf32, #tpu.memory_space<vmem>>
    %dma_start3A_45 = arith.constant 0 : i32
    %dma_start3A_46 = tpu.memref_slice %arg9[%dma_start3A_45] : memref<256xi32, #tpu.memory_space<vmem>> -> memref<8xi32, #tpu.memory_space<vmem>>
    %dma_start3A_47 = arith.constant 0 : i32
    %dma_start3A_48 = arith.constant 0 : i32
    %dma_start3A_49 = tpu.memref_slice %arg5[%dma_start3A_47, %dma_start3A_48] : memref<32000x2048xf32, #tpu.memory_space<hbm>> -> memref<32000x2048xf32, #tpu.memory_space<hbm>>
    tpu.enqueue_indirect_dma source(%dma_start3A_49 : memref<32000x2048xf32, #tpu.memory_space<hbm>>) target(%dma_start3A_44 : memref<8x2048xf32, #tpu.memory_space<vmem>>) offsets(%dma_start3A_46 : memref<8xi32, #tpu.memory_space<vmem>>) semaphore(%arg16 : memref<!tpu.dma_semaphore, #tpu.memory_space<semaphore_mem>>)
    %dma_start3A_50 = arith.constant 1 : i32
    %dma_start3A_51 = arith.constant 0 : i32
    %dma_start3A_52 = arith.constant 0 : i32
    %dma_start3A_53 = tpu.memref_slice %arg10[%dma_start3A_50, %dma_start3A_51, %dma_start3A_52] : memref<4x8x2048xf32, #tpu.memory_space<vmem>> -> memref<1x8x2048xf32, #tpu.memory_space<vmem>>
    %dma_start3A_54 = tpu.memref_squeeze %dma_start3A_53 : memref<1x8x2048xf32, #tpu.memory_space<vmem>> -> memref<8x2048xf32, #tpu.memory_space<vmem>>
    %dma_start3A_55 = arith.constant 8 : i32
    %dma_start3A_56 = tpu.memref_slice %arg9[%dma_start3A_55] : memref<256xi32, #tpu.memory_space<vmem>> -> memref<8xi32, #tpu.memory_space<vmem>>
    %dma_start3A_57 = arith.constant 0 : i32
    %dma_start3A_58 = arith.constant 0 : i32
    %dma_start3A_59 = tpu.memref_slice %arg5[%dma_start3A_57, %dma_start3A_58] : memref<32000x2048xf32, #tpu.memory_space<hbm>> -> memref<32000x2048xf32, #tpu.memory_space<hbm>>
    tpu.enqueue_indirect_dma source(%dma_start3A_59 : memref<32000x2048xf32, #tpu.memory_space<hbm>>) target(%dma_start3A_54 : memref<8x2048xf32, #tpu.memory_space<vmem>>) offsets(%dma_start3A_56 : memref<8xi32, #tpu.memory_space<vmem>>) semaphore(%arg17 : memref<!tpu.dma_semaphore, #tpu.memory_space<semaphore_mem>>)
    %dma_start3A_60 = arith.constant 2 : i32
    %dma_start3A_61 = arith.constant 0 : i32
    %dma_start3A_62 = arith.constant 0 : i32
    %dma_start3A_63 = tpu.memref_slice %arg10[%dma_start3A_60, %dma_start3A_61, %dma_start3A_62] : memref<4x8x2048xf32, #tpu.memory_space<vmem>> -> memref<1x8x2048xf32, #tpu.memory_space<vmem>>
    %dma_start3A_64 = tpu.memref_squeeze %dma_start3A_63 : memref<1x8x2048xf32, #tpu.memory_space<vmem>> -> memref<8x2048xf32, #tpu.memory_space<vmem>>
    %dma_start3A_65 = arith.constant 16 : i32
    %dma_start3A_66 = tpu.memref_slice %arg9[%dma_start3A_65] : memref<256xi32, #tpu.memory_space<vmem>> -> memref<8xi32, #tpu.memory_space<vmem>>
    %dma_start3A_67 = arith.constant 0 : i32
    %dma_start3A_68 = arith.constant 0 : i32
    %dma_start3A_69 = tpu.memref_slice %arg5[%dma_start3A_67, %dma_start3A_68] : memref<32000x2048xf32, #tpu.memory_space<hbm>> -> memref<32000x2048xf32, #tpu.memory_space<hbm>>
    tpu.enqueue_indirect_dma source(%dma_start3A_69 : memref<32000x2048xf32, #tpu.memory_space<hbm>>) target(%dma_start3A_64 : memref<8x2048xf32, #tpu.memory_space<vmem>>) offsets(%dma_start3A_66 : memref<8xi32, #tpu.memory_space<vmem>>) semaphore(%arg18 : memref<!tpu.dma_semaphore, #tpu.memory_space<semaphore_mem>>)
    %scan3A = arith.constant 0 : i32
    %scan3A_70 = arith.constant 0 : i32
    %scan3A_71 = arith.constant 8 : i32
    %scan3A_72 = arith.addi %scan3A_70, %scan3A_71 : i32
    %scan3A_73 = arith.constant 1 : i32
    %scan3A_74 = scf.for %scan3A_151 = %scan3A_70 to %scan3A_72 step %scan3A_73 iter_args(%scan3A_152 = %scan3A) -> (i32)  : i32 {
      %mul3A_153 = arith.constant 4 : i32
      %mul3A_154 = arith.muli %scan3A_151, %mul3A_153 : i32
      %add3A_155 = arith.constant 0 : i32
      %add3A_156 = arith.addi %mul3A_154, %add3A_155 : i32
      %add3A_157 = arith.constant 3 : i32
      %add3A_158 = arith.addi %add3A_156, %add3A_157 : i32
      %lt3A_159 = arith.constant 32 : i32
      %lt3A_160 = arith.cmpi slt, %add3A_158, %lt3A_159 : i32
      %convert_element_type3A_161 = arith.extui %lt3A_160 : i1 to i32
      %cond3A_162 = arith.constant 0 : i32
      %cond3A_163 = arith.cmpi ne, %convert_element_type3A_161, %cond3A_162 : i32
      scf.if %cond3A_163 {
        %ge3A = arith.constant 4 : i32
        %ge3A_316 = arith.cmpi sge, %add3A_158, %ge3A : i32
        %convert_element_type3A_317 = arith.extui %ge3A_316 : i1 to i32
        %cond3A_318 = arith.constant 0 : i32
        %cond3A_319 = arith.cmpi ne, %convert_element_type3A_317, %cond3A_318 : i32
        scf.if %cond3A_319 {
          %sub3A_331 = arith.constant 4 : i32
          %sub3A_332 = arith.subi %add3A_158, %sub3A_331 : i32
          %add3A_333 = arith.constant 32 : i32
          %add3A_334 = arith.addi %add3A_333, %mul3A_32 : i32
          %mul3A_335 = arith.constant 8 : i32
          %mul3A_336 = arith.muli %sub3A_332, %mul3A_335 : i32
          %add3A_337 = arith.addi %add3A_334, %mul3A_336 : i32
          %dma_wait3A_338 = arith.constant 3 : i32
          %dma_wait3A_339 = arith.constant 0 : i32
          %dma_wait3A_340 = arith.constant 0 : i32
          %dma_wait3A_341 = tpu.memref_slice %arg10[%dma_wait3A_338, %dma_wait3A_339, %dma_wait3A_340] : memref<4x8x2048xf32, #tpu.memory_space<vmem>> -> memref<1x8x2048xf32, #tpu.memory_space<vmem>>
          %dma_wait3A_342 = tpu.memref_squeeze %dma_wait3A_341 : memref<1x8x2048xf32, #tpu.memory_space<vmem>> -> memref<8x2048xf32, #tpu.memory_space<vmem>>
          %dma_wait3A_343 = arith.constant 0 : i32
          %dma_wait3A_344 = tpu.memref_slice %arg7[%select_n3A, %add3A_337, %dma_wait3A_343] : memref<4x2080x2048xf32, #tpu.memory_space<hbm>> -> memref<1x8x2048xf32, #tpu.memory_space<hbm>>
          %dma_wait3A_345 = tpu.memref_squeeze %dma_wait3A_344 : memref<1x8x2048xf32, #tpu.memory_space<hbm>> -> memref<8x2048xf32, #tpu.memory_space<hbm>>
          %dma_wait3A_346 = arith.constant 0 : i32
          %dma_wait3A_347 = tpu.memref_slice %arg7[%select_n3A, %add3A_337, %dma_wait3A_346] : memref<4x2080x2048xf32, #tpu.memory_space<hbm>> -> memref<1x8x2048xf32, #tpu.memory_space<hbm>>
          %dma_wait3A_348 = tpu.memref_squeeze %dma_wait3A_347 : memref<1x8x2048xf32, #tpu.memory_space<hbm>> -> memref<8x2048xf32, #tpu.memory_space<hbm>>
          %dma_wait3A_349 = arith.constant 0 : i32
          %dma_wait3A_350 = arith.constant 0 : i32
          %dma_wait3A_351 = tpu.memref_slice %arg10[%dma_wait3A_338, %dma_wait3A_349, %dma_wait3A_350] : memref<4x8x2048xf32, #tpu.memory_space<vmem>> -> memref<1x8x2048xf32, #tpu.memory_space<vmem>>
          %dma_wait3A_352 = tpu.memref_squeeze %dma_wait3A_351 : memref<1x8x2048xf32, #tpu.memory_space<vmem>> -> memref<8x2048xf32, #tpu.memory_space<vmem>>
          tpu.wait_dma2 semaphore(%arg23 : memref<!tpu.dma_semaphore, #tpu.memory_space<semaphore_mem>>) src(%dma_wait3A_352 : memref<8x2048xf32, #tpu.memory_space<vmem>>) dst(%dma_wait3A_348 : memref<8x2048xf32, #tpu.memory_space<hbm>>)
        } else {
        }
        %mul3A_320 = arith.constant 8 : i32
        %mul3A_321 = arith.muli %add3A_158, %mul3A_320 : i32
        %dma_start3A_322 = arith.constant 3 : i32
        %dma_start3A_323 = arith.constant 0 : i32
        %dma_start3A_324 = arith.constant 0 : i32
        %dma_start3A_325 = tpu.memref_slice %arg10[%dma_start3A_322, %dma_start3A_323, %dma_start3A_324] : memref<4x8x2048xf32, #tpu.memory_space<vmem>> -> memref<1x8x2048xf32, #tpu.memory_space<vmem>>
        %dma_start3A_326 = tpu.memref_squeeze %dma_start3A_325 : memref<1x8x2048xf32, #tpu.memory_space<vmem>> -> memref<8x2048xf32, #tpu.memory_space<vmem>>
        %dma_start3A_327 = tpu.memref_slice %arg9[%mul3A_321] : memref<256xi32, #tpu.memory_space<vmem>> -> memref<8xi32, #tpu.memory_space<vmem>>
        %dma_start3A_328 = arith.constant 0 : i32
        %dma_start3A_329 = arith.constant 0 : i32
        %dma_start3A_330 = tpu.memref_slice %arg5[%dma_start3A_328, %dma_start3A_329] : memref<32000x2048xf32, #tpu.memory_space<hbm>> -> memref<32000x2048xf32, #tpu.memory_space<hbm>>
        tpu.enqueue_indirect_dma source(%dma_start3A_330 : memref<32000x2048xf32, #tpu.memory_space<hbm>>) target(%dma_start3A_326 : memref<8x2048xf32, #tpu.memory_space<vmem>>) offsets(%dma_start3A_327 : memref<8xi32, #tpu.memory_space<vmem>>) semaphore(%arg19 : memref<!tpu.dma_semaphore, #tpu.memory_space<semaphore_mem>>)
      } else {
      }
      %mul3A_164 = arith.constant 8 : i32
      %mul3A_165 = arith.muli %add3A_156, %mul3A_164 : i32
      %dma_wait3A_166 = arith.constant 0 : i32
      %dma_wait3A_167 = arith.constant 0 : i32
      %dma_wait3A_168 = arith.constant 0 : i32
      %dma_wait3A_169 = tpu.memref_slice %arg10[%dma_wait3A_166, %dma_wait3A_167, %dma_wait3A_168] : memref<4x8x2048xf32, #tpu.memory_space<vmem>> -> memref<1x8x2048xf32, #tpu.memory_space<vmem>>
      %dma_wait3A_170 = tpu.memref_squeeze %dma_wait3A_169 : memref<1x8x2048xf32, #tpu.memory_space<vmem>> -> memref<8x2048xf32, #tpu.memory_space<vmem>>
      %dma_wait3A_171 = tpu.memref_slice %arg9[%mul3A_165] : memref<256xi32, #tpu.memory_space<vmem>> -> memref<8xi32, #tpu.memory_space<vmem>>
      %dma_wait3A_172 = arith.constant 0 : i32
      %dma_wait3A_173 = arith.constant 0 : i32
      %dma_wait3A_174 = tpu.memref_slice %arg5[%dma_wait3A_172, %dma_wait3A_173] : memref<32000x2048xf32, #tpu.memory_space<hbm>> -> memref<32000x2048xf32, #tpu.memory_space<hbm>>
      tpu.wait_indirect_dma semaphore(%arg16 : memref<!tpu.dma_semaphore, #tpu.memory_space<semaphore_mem>>) src(%dma_wait3A_174 : memref<32000x2048xf32, #tpu.memory_space<hbm>>) dst(%dma_wait3A_170 : memref<8x2048xf32, #tpu.memory_space<vmem>>)
      %add3A_175 = arith.constant 32 : i32
      %add3A_176 = arith.addi %add3A_175, %mul3A_32 : i32
      %mul3A_177 = arith.constant 8 : i32
      %mul3A_178 = arith.muli %add3A_156, %mul3A_177 : i32
      %add3A_179 = arith.addi %add3A_176, %mul3A_178 : i32
      %dma_start3A_180 = arith.constant 0 : i32
      %dma_start3A_181 = arith.constant 0 : i32
      %dma_start3A_182 = arith.constant 0 : i32
      %dma_start3A_183 = tpu.memref_slice %arg10[%dma_start3A_180, %dma_start3A_181, %dma_start3A_182] : memref<4x8x2048xf32, #tpu.memory_space<vmem>> -> memref<1x8x2048xf32, #tpu.memory_space<vmem>>
      %dma_start3A_184 = tpu.memref_squeeze %dma_start3A_183 : memref<1x8x2048xf32, #tpu.memory_space<vmem>> -> memref<8x2048xf32, #tpu.memory_space<vmem>>
      %dma_start3A_185 = arith.constant 0 : i32
      %dma_start3A_186 = tpu.memref_slice %arg7[%select_n3A, %add3A_179, %dma_start3A_185] : memref<4x2080x2048xf32, #tpu.memory_space<hbm>> -> memref<1x8x2048xf32, #tpu.memory_space<hbm>>
      %dma_start3A_187 = tpu.memref_squeeze %dma_start3A_186 : memref<1x8x2048xf32, #tpu.memory_space<hbm>> -> memref<8x2048xf32, #tpu.memory_space<hbm>>
      %dma_start3A_188 = arith.constant 0 : i32
      %dma_start3A_189 = tpu.memref_slice %arg7[%select_n3A, %add3A_179, %dma_start3A_188] : memref<4x2080x2048xf32, #tpu.memory_space<hbm>> -> memref<1x8x2048xf32, #tpu.memory_space<hbm>>
      %dma_start3A_190 = tpu.memref_squeeze %dma_start3A_189 : memref<1x8x2048xf32, #tpu.memory_space<hbm>> -> memref<8x2048xf32, #tpu.memory_space<hbm>>
      %dma_start3A_191 = arith.constant 0 : i32
      %dma_start3A_192 = arith.constant 0 : i32
      %dma_start3A_193 = tpu.memref_slice %arg10[%dma_start3A_180, %dma_start3A_191, %dma_start3A_192] : memref<4x8x2048xf32, #tpu.memory_space<vmem>> -> memref<1x8x2048xf32, #tpu.memory_space<vmem>>
      %dma_start3A_194 = tpu.memref_squeeze %dma_start3A_193 : memref<1x8x2048xf32, #tpu.memory_space<vmem>> -> memref<8x2048xf32, #tpu.memory_space<vmem>>
      tpu.enqueue_dma source(%dma_start3A_194 : memref<8x2048xf32, #tpu.memory_space<vmem>>) target(%dma_start3A_190 : memref<8x2048xf32, #tpu.memory_space<hbm>>) target_semaphore(%arg20 : memref<!tpu.dma_semaphore, #tpu.memory_space<semaphore_mem>>)
      %add3A_195 = arith.constant 1 : i32
      %add3A_196 = arith.addi %mul3A_154, %add3A_195 : i32
      %add3A_197 = arith.constant 3 : i32
      %add3A_198 = arith.addi %add3A_196, %add3A_197 : i32
      %lt3A_199 = arith.constant 32 : i32
      %lt3A_200 = arith.cmpi slt, %add3A_198, %lt3A_199 : i32
      %convert_element_type3A_201 = arith.extui %lt3A_200 : i1 to i32
      %cond3A_202 = arith.constant 0 : i32
      %cond3A_203 = arith.cmpi ne, %convert_element_type3A_201, %cond3A_202 : i32
      scf.if %cond3A_203 {
        %ge3A = arith.constant 4 : i32
        %ge3A_316 = arith.cmpi sge, %add3A_198, %ge3A : i32
        %convert_element_type3A_317 = arith.extui %ge3A_316 : i1 to i32
        %cond3A_318 = arith.constant 0 : i32
        %cond3A_319 = arith.cmpi ne, %convert_element_type3A_317, %cond3A_318 : i32
        scf.if %cond3A_319 {
          %sub3A_331 = arith.constant 4 : i32
          %sub3A_332 = arith.subi %add3A_198, %sub3A_331 : i32
          %add3A_333 = arith.constant 32 : i32
          %add3A_334 = arith.addi %add3A_333, %mul3A_32 : i32
          %mul3A_335 = arith.constant 8 : i32
          %mul3A_336 = arith.muli %sub3A_332, %mul3A_335 : i32
          %add3A_337 = arith.addi %add3A_334, %mul3A_336 : i32
          %dma_wait3A_338 = arith.constant 0 : i32
          %dma_wait3A_339 = arith.constant 0 : i32
          %dma_wait3A_340 = arith.constant 0 : i32
          %dma_wait3A_341 = tpu.memref_slice %arg10[%dma_wait3A_338, %dma_wait3A_339, %dma_wait3A_340] : memref<4x8x2048xf32, #tpu.memory_space<vmem>> -> memref<1x8x2048xf32, #tpu.memory_space<vmem>>
          %dma_wait3A_342 = tpu.memref_squeeze %dma_wait3A_341 : memref<1x8x2048xf32, #tpu.memory_space<vmem>> -> memref<8x2048xf32, #tpu.memory_space<vmem>>
          %dma_wait3A_343 = arith.constant 0 : i32
          %dma_wait3A_344 = tpu.memref_slice %arg7[%select_n3A, %add3A_337, %dma_wait3A_343] : memref<4x2080x2048xf32, #tpu.memory_space<hbm>> -> memref<1x8x2048xf32, #tpu.memory_space<hbm>>
          %dma_wait3A_345 = tpu.memref_squeeze %dma_wait3A_344 : memref<1x8x2048xf32, #tpu.memory_space<hbm>> -> memref<8x2048xf32, #tpu.memory_space<hbm>>
          %dma_wait3A_346 = arith.constant 0 : i32
          %dma_wait3A_347 = tpu.memref_slice %arg7[%select_n3A, %add3A_337, %dma_wait3A_346] : memref<4x2080x2048xf32, #tpu.memory_space<hbm>> -> memref<1x8x2048xf32, #tpu.memory_space<hbm>>
          %dma_wait3A_348 = tpu.memref_squeeze %dma_wait3A_347 : memref<1x8x2048xf32, #tpu.memory_space<hbm>> -> memref<8x2048xf32, #tpu.memory_space<hbm>>
          %dma_wait3A_349 = arith.constant 0 : i32
          %dma_wait3A_350 = arith.constant 0 : i32
          %dma_wait3A_351 = tpu.memref_slice %arg10[%dma_wait3A_338, %dma_wait3A_349, %dma_wait3A_350] : memref<4x8x2048xf32, #tpu.memory_space<vmem>> -> memref<1x8x2048xf32, #tpu.memory_space<vmem>>
          %dma_wait3A_352 = tpu.memref_squeeze %dma_wait3A_351 : memref<1x8x2048xf32, #tpu.memory_space<vmem>> -> memref<8x2048xf32, #tpu.memory_space<vmem>>
          tpu.wait_dma2 semaphore(%arg20 : memref<!tpu.dma_semaphore, #tpu.memory_space<semaphore_mem>>) src(%dma_wait3A_352 : memref<8x2048xf32, #tpu.memory_space<vmem>>) dst(%dma_wait3A_348 : memref<8x2048xf32, #tpu.memory_space<hbm>>)
        } else {
        }
        %mul3A_320 = arith.constant 8 : i32
        %mul3A_321 = arith.muli %add3A_198, %mul3A_320 : i32
        %dma_start3A_322 = arith.constant 0 : i32
        %dma_start3A_323 = arith.constant 0 : i32
        %dma_start3A_324 = arith.constant 0 : i32
        %dma_start3A_325 = tpu.memref_slice %arg10[%dma_start3A_322, %dma_start3A_323, %dma_start3A_324] : memref<4x8x2048xf32, #tpu.memory_space<vmem>> -> memref<1x8x2048xf32, #tpu.memory_space<vmem>>
        %dma_start3A_326 = tpu.memref_squeeze %dma_start3A_325 : memref<1x8x2048xf32, #tpu.memory_space<vmem>> -> memref<8x2048xf32, #tpu.memory_space<vmem>>
        %dma_start3A_327 = tpu.memref_slice %arg9[%mul3A_321] : memref<256xi32, #tpu.memory_space<vmem>> -> memref<8xi32, #tpu.memory_space<vmem>>
        %dma_start3A_328 = arith.constant 0 : i32
        %dma_start3A_329 = arith.constant 0 : i32
        %dma_start3A_330 = tpu.memref_slice %arg5[%dma_start3A_328, %dma_start3A_329] : memref<32000x2048xf32, #tpu.memory_space<hbm>> -> memref<32000x2048xf32, #tpu.memory_space<hbm>>
        tpu.enqueue_indirect_dma source(%dma_start3A_330 : memref<32000x2048xf32, #tpu.memory_space<hbm>>) target(%dma_start3A_326 : memref<8x2048xf32, #tpu.memory_space<vmem>>) offsets(%dma_start3A_327 : memref<8xi32, #tpu.memory_space<vmem>>) semaphore(%arg16 : memref<!tpu.dma_semaphore, #tpu.memory_space<semaphore_mem>>)
      } else {
      }
      %mul3A_204 = arith.constant 8 : i32
      %mul3A_205 = arith.muli %add3A_196, %mul3A_204 : i32
      %dma_wait3A_206 = arith.constant 1 : i32
      %dma_wait3A_207 = arith.constant 0 : i32
      %dma_wait3A_208 = arith.constant 0 : i32
      %dma_wait3A_209 = tpu.memref_slice %arg10[%dma_wait3A_206, %dma_wait3A_207, %dma_wait3A_208] : memref<4x8x2048xf32, #tpu.memory_space<vmem>> -> memref<1x8x2048xf32, #tpu.memory_space<vmem>>
      %dma_wait3A_210 = tpu.memref_squeeze %dma_wait3A_209 : memref<1x8x2048xf32, #tpu.memory_space<vmem>> -> memref<8x2048xf32, #tpu.memory_space<vmem>>
      %dma_wait3A_211 = tpu.memref_slice %arg9[%mul3A_205] : memref<256xi32, #tpu.memory_space<vmem>> -> memref<8xi32, #tpu.memory_space<vmem>>
      %dma_wait3A_212 = arith.constant 0 : i32
      %dma_wait3A_213 = arith.constant 0 : i32
      %dma_wait3A_214 = tpu.memref_slice %arg5[%dma_wait3A_212, %dma_wait3A_213] : memref<32000x2048xf32, #tpu.memory_space<hbm>> -> memref<32000x2048xf32, #tpu.memory_space<hbm>>
      tpu.wait_indirect_dma semaphore(%arg17 : memref<!tpu.dma_semaphore, #tpu.memory_space<semaphore_mem>>) src(%dma_wait3A_214 : memref<32000x2048xf32, #tpu.memory_space<hbm>>) dst(%dma_wait3A_210 : memref<8x2048xf32, #tpu.memory_space<vmem>>)
      %add3A_215 = arith.constant 32 : i32
      %add3A_216 = arith.addi %add3A_215, %mul3A_32 : i32
      %mul3A_217 = arith.constant 8 : i32
      %mul3A_218 = arith.muli %add3A_196, %mul3A_217 : i32
      %add3A_219 = arith.addi %add3A_216, %mul3A_218 : i32
      %dma_start3A_220 = arith.constant 1 : i32
      %dma_start3A_221 = arith.constant 0 : i32
      %dma_start3A_222 = arith.constant 0 : i32
      %dma_start3A_223 = tpu.memref_slice %arg10[%dma_start3A_220, %dma_start3A_221, %dma_start3A_222] : memref<4x8x2048xf32, #tpu.memory_space<vmem>> -> memref<1x8x2048xf32, #tpu.memory_space<vmem>>
      %dma_start3A_224 = tpu.memref_squeeze %dma_start3A_223 : memref<1x8x2048xf32, #tpu.memory_space<vmem>> -> memref<8x2048xf32, #tpu.memory_space<vmem>>
      %dma_start3A_225 = arith.constant 0 : i32
      %dma_start3A_226 = tpu.memref_slice %arg7[%select_n3A, %add3A_219, %dma_start3A_225] : memref<4x2080x2048xf32, #tpu.memory_space<hbm>> -> memref<1x8x2048xf32, #tpu.memory_space<hbm>>
      %dma_start3A_227 = tpu.memref_squeeze %dma_start3A_226 : memref<1x8x2048xf32, #tpu.memory_space<hbm>> -> memref<8x2048xf32, #tpu.memory_space<hbm>>
      %dma_start3A_228 = arith.constant 0 : i32
      %dma_start3A_229 = tpu.memref_slice %arg7[%select_n3A, %add3A_219, %dma_start3A_228] : memref<4x2080x2048xf32, #tpu.memory_space<hbm>> -> memref<1x8x2048xf32, #tpu.memory_space<hbm>>
      %dma_start3A_230 = tpu.memref_squeeze %dma_start3A_229 : memref<1x8x2048xf32, #tpu.memory_space<hbm>> -> memref<8x2048xf32, #tpu.memory_space<hbm>>
      %dma_start3A_231 = arith.constant 0 : i32
      %dma_start3A_232 = arith.constant 0 : i32
      %dma_start3A_233 = tpu.memref_slice %arg10[%dma_start3A_220, %dma_start3A_231, %dma_start3A_232] : memref<4x8x2048xf32, #tpu.memory_space<vmem>> -> memref<1x8x2048xf32, #tpu.memory_space<vmem>>
      %dma_start3A_234 = tpu.memref_squeeze %dma_start3A_233 : memref<1x8x2048xf32, #tpu.memory_space<vmem>> -> memref<8x2048xf32, #tpu.memory_space<vmem>>
      tpu.enqueue_dma source(%dma_start3A_234 : memref<8x2048xf32, #tpu.memory_space<vmem>>) target(%dma_start3A_230 : memref<8x2048xf32, #tpu.memory_space<hbm>>) target_semaphore(%arg21 : memref<!tpu.dma_semaphore, #tpu.memory_space<semaphore_mem>>)
      %add3A_235 = arith.constant 2 : i32
      %add3A_236 = arith.addi %mul3A_154, %add3A_235 : i32
      %add3A_237 = arith.constant 3 : i32
      %add3A_238 = arith.addi %add3A_236, %add3A_237 : i32
      %lt3A_239 = arith.constant 32 : i32
      %lt3A_240 = arith.cmpi slt, %add3A_238, %lt3A_239 : i32
      %convert_element_type3A_241 = arith.extui %lt3A_240 : i1 to i32
      %cond3A_242 = arith.constant 0 : i32
      %cond3A_243 = arith.cmpi ne, %convert_element_type3A_241, %cond3A_242 : i32
      scf.if %cond3A_243 {
        %ge3A = arith.constant 4 : i32
        %ge3A_316 = arith.cmpi sge, %add3A_238, %ge3A : i32
        %convert_element_type3A_317 = arith.extui %ge3A_316 : i1 to i32
        %cond3A_318 = arith.constant 0 : i32
        %cond3A_319 = arith.cmpi ne, %convert_element_type3A_317, %cond3A_318 : i32
        scf.if %cond3A_319 {
          %sub3A_331 = arith.constant 4 : i32
          %sub3A_332 = arith.subi %add3A_238, %sub3A_331 : i32
          %add3A_333 = arith.constant 32 : i32
          %add3A_334 = arith.addi %add3A_333, %mul3A_32 : i32
          %mul3A_335 = arith.constant 8 : i32
          %mul3A_336 = arith.muli %sub3A_332, %mul3A_335 : i32
          %add3A_337 = arith.addi %add3A_334, %mul3A_336 : i32
          %dma_wait3A_338 = arith.constant 1 : i32
          %dma_wait3A_339 = arith.constant 0 : i32
          %dma_wait3A_340 = arith.constant 0 : i32
          %dma_wait3A_341 = tpu.memref_slice %arg10[%dma_wait3A_338, %dma_wait3A_339, %dma_wait3A_340] : memref<4x8x2048xf32, #tpu.memory_space<vmem>> -> memref<1x8x2048xf32, #tpu.memory_space<vmem>>
          %dma_wait3A_342 = tpu.memref_squeeze %dma_wait3A_341 : memref<1x8x2048xf32, #tpu.memory_space<vmem>> -> memref<8x2048xf32, #tpu.memory_space<vmem>>
          %dma_wait3A_343 = arith.constant 0 : i32
          %dma_wait3A_344 = tpu.memref_slice %arg7[%select_n3A, %add3A_337, %dma_wait3A_343] : memref<4x2080x2048xf32, #tpu.memory_space<hbm>> -> memref<1x8x2048xf32, #tpu.memory_space<hbm>>
          %dma_wait3A_345 = tpu.memref_squeeze %dma_wait3A_344 : memref<1x8x2048xf32, #tpu.memory_space<hbm>> -> memref<8x2048xf32, #tpu.memory_space<hbm>>
          %dma_wait3A_346 = arith.constant 0 : i32
          %dma_wait3A_347 = tpu.memref_slice %arg7[%select_n3A, %add3A_337, %dma_wait3A_346] : memref<4x2080x2048xf32, #tpu.memory_space<hbm>> -> memref<1x8x2048xf32, #tpu.memory_space<hbm>>
          %dma_wait3A_348 = tpu.memref_squeeze %dma_wait3A_347 : memref<1x8x2048xf32, #tpu.memory_space<hbm>> -> memref<8x2048xf32, #tpu.memory_space<hbm>>
          %dma_wait3A_349 = arith.constant 0 : i32
          %dma_wait3A_350 = arith.constant 0 : i32
          %dma_wait3A_351 = tpu.memref_slice %arg10[%dma_wait3A_338, %dma_wait3A_349, %dma_wait3A_350] : memref<4x8x2048xf32, #tpu.memory_space<vmem>> -> memref<1x8x2048xf32, #tpu.memory_space<vmem>>
          %dma_wait3A_352 = tpu.memref_squeeze %dma_wait3A_351 : memref<1x8x2048xf32, #tpu.memory_space<vmem>> -> memref<8x2048xf32, #tpu.memory_space<vmem>>
          tpu.wait_dma2 semaphore(%arg21 : memref<!tpu.dma_semaphore, #tpu.memory_space<semaphore_mem>>) src(%dma_wait3A_352 : memref<8x2048xf32, #tpu.memory_space<vmem>>) dst(%dma_wait3A_348 : memref<8x2048xf32, #tpu.memory_space<hbm>>)
        } else {
        }
        %mul3A_320 = arith.constant 8 : i32
        %mul3A_321 = arith.muli %add3A_238, %mul3A_320 : i32
        %dma_start3A_322 = arith.constant 1 : i32
        %dma_start3A_323 = arith.constant 0 : i32
        %dma_start3A_324 = arith.constant 0 : i32
        %dma_start3A_325 = tpu.memref_slice %arg10[%dma_start3A_322, %dma_start3A_323, %dma_start3A_324] : memref<4x8x2048xf32, #tpu.memory_space<vmem>> -> memref<1x8x2048xf32, #tpu.memory_space<vmem>>
        %dma_start3A_326 = tpu.memref_squeeze %dma_start3A_325 : memref<1x8x2048xf32, #tpu.memory_space<vmem>> -> memref<8x2048xf32, #tpu.memory_space<vmem>>
        %dma_start3A_327 = tpu.memref_slice %arg9[%mul3A_321] : memref<256xi32, #tpu.memory_space<vmem>> -> memref<8xi32, #tpu.memory_space<vmem>>
        %dma_start3A_328 = arith.constant 0 : i32
        %dma_start3A_329 = arith.constant 0 : i32
        %dma_start3A_330 = tpu.memref_slice %arg5[%dma_start3A_328, %dma_start3A_329] : memref<32000x2048xf32, #tpu.memory_space<hbm>> -> memref<32000x2048xf32, #tpu.memory_space<hbm>>
        tpu.enqueue_indirect_dma source(%dma_start3A_330 : memref<32000x2048xf32, #tpu.memory_space<hbm>>) target(%dma_start3A_326 : memref<8x2048xf32, #tpu.memory_space<vmem>>) offsets(%dma_start3A_327 : memref<8xi32, #tpu.memory_space<vmem>>) semaphore(%arg17 : memref<!tpu.dma_semaphore, #tpu.memory_space<semaphore_mem>>)
      } else {
      }
      %mul3A_244 = arith.constant 8 : i32
      %mul3A_245 = arith.muli %add3A_236, %mul3A_244 : i32
      %dma_wait3A_246 = arith.constant 2 : i32
      %dma_wait3A_247 = arith.constant 0 : i32
      %dma_wait3A_248 = arith.constant 0 : i32
      %dma_wait3A_249 = tpu.memref_slice %arg10[%dma_wait3A_246, %dma_wait3A_247, %dma_wait3A_248] : memref<4x8x2048xf32, #tpu.memory_space<vmem>> -> memref<1x8x2048xf32, #tpu.memory_space<vmem>>
      %dma_wait3A_250 = tpu.memref_squeeze %dma_wait3A_249 : memref<1x8x2048xf32, #tpu.memory_space<vmem>> -> memref<8x2048xf32, #tpu.memory_space<vmem>>
      %dma_wait3A_251 = tpu.memref_slice %arg9[%mul3A_245] : memref<256xi32, #tpu.memory_space<vmem>> -> memref<8xi32, #tpu.memory_space<vmem>>
      %dma_wait3A_252 = arith.constant 0 : i32
      %dma_wait3A_253 = arith.constant 0 : i32
      %dma_wait3A_254 = tpu.memref_slice %arg5[%dma_wait3A_252, %dma_wait3A_253] : memref<32000x2048xf32, #tpu.memory_space<hbm>> -> memref<32000x2048xf32, #tpu.memory_space<hbm>>
      tpu.wait_indirect_dma semaphore(%arg18 : memref<!tpu.dma_semaphore, #tpu.memory_space<semaphore_mem>>) src(%dma_wait3A_254 : memref<32000x2048xf32, #tpu.memory_space<hbm>>) dst(%dma_wait3A_250 : memref<8x2048xf32, #tpu.memory_space<vmem>>)
      %add3A_255 = arith.constant 32 : i32
      %add3A_256 = arith.addi %add3A_255, %mul3A_32 : i32
      %mul3A_257 = arith.constant 8 : i32
      %mul3A_258 = arith.muli %add3A_236, %mul3A_257 : i32
      %add3A_259 = arith.addi %add3A_256, %mul3A_258 : i32
      %dma_start3A_260 = arith.constant 2 : i32
      %dma_start3A_261 = arith.constant 0 : i32
      %dma_start3A_262 = arith.constant 0 : i32
      %dma_start3A_263 = tpu.memref_slice %arg10[%dma_start3A_260, %dma_start3A_261, %dma_start3A_262] : memref<4x8x2048xf32, #tpu.memory_space<vmem>> -> memref<1x8x2048xf32, #tpu.memory_space<vmem>>
      %dma_start3A_264 = tpu.memref_squeeze %dma_start3A_263 : memref<1x8x2048xf32, #tpu.memory_space<vmem>> -> memref<8x2048xf32, #tpu.memory_space<vmem>>
      %dma_start3A_265 = arith.constant 0 : i32
      %dma_start3A_266 = tpu.memref_slice %arg7[%select_n3A, %add3A_259, %dma_start3A_265] : memref<4x2080x2048xf32, #tpu.memory_space<hbm>> -> memref<1x8x2048xf32, #tpu.memory_space<hbm>>
      %dma_start3A_267 = tpu.memref_squeeze %dma_start3A_266 : memref<1x8x2048xf32, #tpu.memory_space<hbm>> -> memref<8x2048xf32, #tpu.memory_space<hbm>>
      %dma_start3A_268 = arith.constant 0 : i32
      %dma_start3A_269 = tpu.memref_slice %arg7[%select_n3A, %add3A_259, %dma_start3A_268] : memref<4x2080x2048xf32, #tpu.memory_space<hbm>> -> memref<1x8x2048xf32, #tpu.memory_space<hbm>>
      %dma_start3A_270 = tpu.memref_squeeze %dma_start3A_269 : memref<1x8x2048xf32, #tpu.memory_space<hbm>> -> memref<8x2048xf32, #tpu.memory_space<hbm>>
      %dma_start3A_271 = arith.constant 0 : i32
      %dma_start3A_272 = arith.constant 0 : i32
      %dma_start3A_273 = tpu.memref_slice %arg10[%dma_start3A_260, %dma_start3A_271, %dma_start3A_272] : memref<4x8x2048xf32, #tpu.memory_space<vmem>> -> memref<1x8x2048xf32, #tpu.memory_space<vmem>>
      %dma_start3A_274 = tpu.memref_squeeze %dma_start3A_273 : memref<1x8x2048xf32, #tpu.memory_space<vmem>> -> memref<8x2048xf32, #tpu.memory_space<vmem>>
      tpu.enqueue_dma source(%dma_start3A_274 : memref<8x2048xf32, #tpu.memory_space<vmem>>) target(%dma_start3A_270 : memref<8x2048xf32, #tpu.memory_space<hbm>>) target_semaphore(%arg22 : memref<!tpu.dma_semaphore, #tpu.memory_space<semaphore_mem>>)
      %add3A_275 = arith.constant 3 : i32
      %add3A_276 = arith.addi %mul3A_154, %add3A_275 : i32
      %add3A_277 = arith.constant 3 : i32
      %add3A_278 = arith.addi %add3A_276, %add3A_277 : i32
      %lt3A_279 = arith.constant 32 : i32
      %lt3A_280 = arith.cmpi slt, %add3A_278, %lt3A_279 : i32
      %convert_element_type3A_281 = arith.extui %lt3A_280 : i1 to i32
      %cond3A_282 = arith.constant 0 : i32
      %cond3A_283 = arith.cmpi ne, %convert_element_type3A_281, %cond3A_282 : i32
      scf.if %cond3A_283 {
        %ge3A = arith.constant 4 : i32
        %ge3A_316 = arith.cmpi sge, %add3A_278, %ge3A : i32
        %convert_element_type3A_317 = arith.extui %ge3A_316 : i1 to i32
        %cond3A_318 = arith.constant 0 : i32
        %cond3A_319 = arith.cmpi ne, %convert_element_type3A_317, %cond3A_318 : i32
        scf.if %cond3A_319 {
          %sub3A_331 = arith.constant 4 : i32
          %sub3A_332 = arith.subi %add3A_278, %sub3A_331 : i32
          %add3A_333 = arith.constant 32 : i32
          %add3A_334 = arith.addi %add3A_333, %mul3A_32 : i32
          %mul3A_335 = arith.constant 8 : i32
          %mul3A_336 = arith.muli %sub3A_332, %mul3A_335 : i32
          %add3A_337 = arith.addi %add3A_334, %mul3A_336 : i32
          %dma_wait3A_338 = arith.constant 2 : i32
          %dma_wait3A_339 = arith.constant 0 : i32
          %dma_wait3A_340 = arith.constant 0 : i32
          %dma_wait3A_341 = tpu.memref_slice %arg10[%dma_wait3A_338, %dma_wait3A_339, %dma_wait3A_340] : memref<4x8x2048xf32, #tpu.memory_space<vmem>> -> memref<1x8x2048xf32, #tpu.memory_space<vmem>>
          %dma_wait3A_342 = tpu.memref_squeeze %dma_wait3A_341 : memref<1x8x2048xf32, #tpu.memory_space<vmem>> -> memref<8x2048xf32, #tpu.memory_space<vmem>>
          %dma_wait3A_343 = arith.constant 0 : i32
          %dma_wait3A_344 = tpu.memref_slice %arg7[%select_n3A, %add3A_337, %dma_wait3A_343] : memref<4x2080x2048xf32, #tpu.memory_space<hbm>> -> memref<1x8x2048xf32, #tpu.memory_space<hbm>>
          %dma_wait3A_345 = tpu.memref_squeeze %dma_wait3A_344 : memref<1x8x2048xf32, #tpu.memory_space<hbm>> -> memref<8x2048xf32, #tpu.memory_space<hbm>>
          %dma_wait3A_346 = arith.constant 0 : i32
          %dma_wait3A_347 = tpu.memref_slice %arg7[%select_n3A, %add3A_337, %dma_wait3A_346] : memref<4x2080x2048xf32, #tpu.memory_space<hbm>> -> memref<1x8x2048xf32, #tpu.memory_space<hbm>>
          %dma_wait3A_348 = tpu.memref_squeeze %dma_wait3A_347 : memref<1x8x2048xf32, #tpu.memory_space<hbm>> -> memref<8x2048xf32, #tpu.memory_space<hbm>>
          %dma_wait3A_349 = arith.constant 0 : i32
          %dma_wait3A_350 = arith.constant 0 : i32
          %dma_wait3A_351 = tpu.memref_slice %arg10[%dma_wait3A_338, %dma_wait3A_349, %dma_wait3A_350] : memref<4x8x2048xf32, #tpu.memory_space<vmem>> -> memref<1x8x2048xf32, #tpu.memory_space<vmem>>
          %dma_wait3A_352 = tpu.memref_squeeze %dma_wait3A_351 : memref<1x8x2048xf32, #tpu.memory_space<vmem>> -> memref<8x2048xf32, #tpu.memory_space<vmem>>
          tpu.wait_dma2 semaphore(%arg22 : memref<!tpu.dma_semaphore, #tpu.memory_space<semaphore_mem>>) src(%dma_wait3A_352 : memref<8x2048xf32, #tpu.memory_space<vmem>>) dst(%dma_wait3A_348 : memref<8x2048xf32, #tpu.memory_space<hbm>>)
        } else {
        }
        %mul3A_320 = arith.constant 8 : i32
        %mul3A_321 = arith.muli %add3A_278, %mul3A_320 : i32
        %dma_start3A_322 = arith.constant 2 : i32
        %dma_start3A_323 = arith.constant 0 : i32
        %dma_start3A_324 = arith.constant 0 : i32
        %dma_start3A_325 = tpu.memref_slice %arg10[%dma_start3A_322, %dma_start3A_323, %dma_start3A_324] : memref<4x8x2048xf32, #tpu.memory_space<vmem>> -> memref<1x8x2048xf32, #tpu.memory_space<vmem>>
        %dma_start3A_326 = tpu.memref_squeeze %dma_start3A_325 : memref<1x8x2048xf32, #tpu.memory_space<vmem>> -> memref<8x2048xf32, #tpu.memory_space<vmem>>
        %dma_start3A_327 = tpu.memref_slice %arg9[%mul3A_321] : memref<256xi32, #tpu.memory_space<vmem>> -> memref<8xi32, #tpu.memory_space<vmem>>
        %dma_start3A_328 = arith.constant 0 : i32
        %dma_start3A_329 = arith.constant 0 : i32
        %dma_start3A_330 = tpu.memref_slice %arg5[%dma_start3A_328, %dma_start3A_329] : memref<32000x2048xf32, #tpu.memory_space<hbm>> -> memref<32000x2048xf32, #tpu.memory_space<hbm>>
        tpu.enqueue_indirect_dma source(%dma_start3A_330 : memref<32000x2048xf32, #tpu.memory_space<hbm>>) target(%dma_start3A_326 : memref<8x2048xf32, #tpu.memory_space<vmem>>) offsets(%dma_start3A_327 : memref<8xi32, #tpu.memory_space<vmem>>) semaphore(%arg18 : memref<!tpu.dma_semaphore, #tpu.memory_space<semaphore_mem>>)
      } else {
      }
      %mul3A_284 = arith.constant 8 : i32
      %mul3A_285 = arith.muli %add3A_276, %mul3A_284 : i32
      %dma_wait3A_286 = arith.constant 3 : i32
      %dma_wait3A_287 = arith.constant 0 : i32
      %dma_wait3A_288 = arith.constant 0 : i32
      %dma_wait3A_289 = tpu.memref_slice %arg10[%dma_wait3A_286, %dma_wait3A_287, %dma_wait3A_288] : memref<4x8x2048xf32, #tpu.memory_space<vmem>> -> memref<1x8x2048xf32, #tpu.memory_space<vmem>>
      %dma_wait3A_290 = tpu.memref_squeeze %dma_wait3A_289 : memref<1x8x2048xf32, #tpu.memory_space<vmem>> -> memref<8x2048xf32, #tpu.memory_space<vmem>>
      %dma_wait3A_291 = tpu.memref_slice %arg9[%mul3A_285] : memref<256xi32, #tpu.memory_space<vmem>> -> memref<8xi32, #tpu.memory_space<vmem>>
      %dma_wait3A_292 = arith.constant 0 : i32
      %dma_wait3A_293 = arith.constant 0 : i32
      %dma_wait3A_294 = tpu.memref_slice %arg5[%dma_wait3A_292, %dma_wait3A_293] : memref<32000x2048xf32, #tpu.memory_space<hbm>> -> memref<32000x2048xf32, #tpu.memory_space<hbm>>
      tpu.wait_indirect_dma semaphore(%arg19 : memref<!tpu.dma_semaphore, #tpu.memory_space<semaphore_mem>>) src(%dma_wait3A_294 : memref<32000x2048xf32, #tpu.memory_space<hbm>>) dst(%dma_wait3A_290 : memref<8x2048xf32, #tpu.memory_space<vmem>>)
      %add3A_295 = arith.constant 32 : i32
      %add3A_296 = arith.addi %add3A_295, %mul3A_32 : i32
      %mul3A_297 = arith.constant 8 : i32
      %mul3A_298 = arith.muli %add3A_276, %mul3A_297 : i32
      %add3A_299 = arith.addi %add3A_296, %mul3A_298 : i32
      %dma_start3A_300 = arith.constant 3 : i32
      %dma_start3A_301 = arith.constant 0 : i32
      %dma_start3A_302 = arith.constant 0 : i32
      %dma_start3A_303 = tpu.memref_slice %arg10[%dma_start3A_300, %dma_start3A_301, %dma_start3A_302] : memref<4x8x2048xf32, #tpu.memory_space<vmem>> -> memref<1x8x2048xf32, #tpu.memory_space<vmem>>
      %dma_start3A_304 = tpu.memref_squeeze %dma_start3A_303 : memref<1x8x2048xf32, #tpu.memory_space<vmem>> -> memref<8x2048xf32, #tpu.memory_space<vmem>>
      %dma_start3A_305 = arith.constant 0 : i32
      %dma_start3A_306 = tpu.memref_slice %arg7[%select_n3A, %add3A_299, %dma_start3A_305] : memref<4x2080x2048xf32, #tpu.memory_space<hbm>> -> memref<1x8x2048xf32, #tpu.memory_space<hbm>>
      %dma_start3A_307 = tpu.memref_squeeze %dma_start3A_306 : memref<1x8x2048xf32, #tpu.memory_space<hbm>> -> memref<8x2048xf32, #tpu.memory_space<hbm>>
      %dma_start3A_308 = arith.constant 0 : i32
      %dma_start3A_309 = tpu.memref_slice %arg7[%select_n3A, %add3A_299, %dma_start3A_308] : memref<4x2080x2048xf32, #tpu.memory_space<hbm>> -> memref<1x8x2048xf32, #tpu.memory_space<hbm>>
      %dma_start3A_310 = tpu.memref_squeeze %dma_start3A_309 : memref<1x8x2048xf32, #tpu.memory_space<hbm>> -> memref<8x2048xf32, #tpu.memory_space<hbm>>
      %dma_start3A_311 = arith.constant 0 : i32
      %dma_start3A_312 = arith.constant 0 : i32
      %dma_start3A_313 = tpu.memref_slice %arg10[%dma_start3A_300, %dma_start3A_311, %dma_start3A_312] : memref<4x8x2048xf32, #tpu.memory_space<vmem>> -> memref<1x8x2048xf32, #tpu.memory_space<vmem>>
      %dma_start3A_314 = tpu.memref_squeeze %dma_start3A_313 : memref<1x8x2048xf32, #tpu.memory_space<vmem>> -> memref<8x2048xf32, #tpu.memory_space<vmem>>
      tpu.enqueue_dma source(%dma_start3A_314 : memref<8x2048xf32, #tpu.memory_space<vmem>>) target(%dma_start3A_310 : memref<8x2048xf32, #tpu.memory_space<hbm>>) target_semaphore(%arg23 : memref<!tpu.dma_semaphore, #tpu.memory_space<semaphore_mem>>)
      %scan3A_315 = arith.constant 0 : i32
      scf.yield %scan3A_315 : i32
    }
    %scan3A_75 = arith.constant 8 : i32
    %add3A_76 = arith.constant 32 : i32
    %add3A_77 = arith.addi %add3A_76, %mul3A_32 : i32
    %add3A_78 = arith.constant 224 : i32
    %add3A_79 = arith.addi %add3A_77, %add3A_78 : i32
    %dma_wait3A = arith.constant 0 : i32
    %dma_wait3A_80 = arith.constant 0 : i32
    %dma_wait3A_81 = arith.constant 0 : i32
    %dma_wait3A_82 = tpu.memref_slice %arg10[%dma_wait3A, %dma_wait3A_80, %dma_wait3A_81] : memref<4x8x2048xf32, #tpu.memory_space<vmem>> -> memref<1x8x2048xf32, #tpu.memory_space<vmem>>
    %dma_wait3A_83 = tpu.memref_squeeze %dma_wait3A_82 : memref<1x8x2048xf32, #tpu.memory_space<vmem>> -> memref<8x2048xf32, #tpu.memory_space<vmem>>
    %dma_wait3A_84 = arith.constant 0 : i32
    %dma_wait3A_85 = tpu.memref_slice %arg7[%select_n3A, %add3A_79, %dma_wait3A_84] : memref<4x2080x2048xf32, #tpu.memory_space<hbm>> -> memref<1x8x2048xf32, #tpu.memory_space<hbm>>
    %dma_wait3A_86 = tpu.memref_squeeze %dma_wait3A_85 : memref<1x8x2048xf32, #tpu.memory_space<hbm>> -> memref<8x2048xf32, #tpu.memory_space<hbm>>
    %dma_wait3A_87 = arith.constant 0 : i32
    %dma_wait3A_88 = tpu.memref_slice %arg7[%select_n3A, %add3A_79, %dma_wait3A_87] : memref<4x2080x2048xf32, #tpu.memory_space<hbm>> -> memref<1x8x2048xf32, #tpu.memory_space<hbm>>
    %dma_wait3A_89 = tpu.memref_squeeze %dma_wait3A_88 : memref<1x8x2048xf32, #tpu.memory_space<hbm>> -> memref<8x2048xf32, #tpu.memory_space<hbm>>
    %dma_wait3A_90 = arith.constant 0 : i32
    %dma_wait3A_91 = arith.constant 0 : i32
    %dma_wait3A_92 = tpu.memref_slice %arg10[%dma_wait3A, %dma_wait3A_90, %dma_wait3A_91] : memref<4x8x2048xf32, #tpu.memory_space<vmem>> -> memref<1x8x2048xf32, #tpu.memory_space<vmem>>
    %dma_wait3A_93 = tpu.memref_squeeze %dma_wait3A_92 : memref<1x8x2048xf32, #tpu.memory_space<vmem>> -> memref<8x2048xf32, #tpu.memory_space<vmem>>
    tpu.wait_dma2 semaphore(%arg20 : memref<!tpu.dma_semaphore, #tpu.memory_space<semaphore_mem>>) src(%dma_wait3A_93 : memref<8x2048xf32, #tpu.memory_space<vmem>>) dst(%dma_wait3A_89 : memref<8x2048xf32, #tpu.memory_space<hbm>>)
    %add3A_94 = arith.constant 32 : i32
    %add3A_95 = arith.addi %add3A_94, %mul3A_32 : i32
    %add3A_96 = arith.constant 232 : i32
    %add3A_97 = arith.addi %add3A_95, %add3A_96 : i32
    %dma_wait3A_98 = arith.constant 1 : i32
    %dma_wait3A_99 = arith.constant 0 : i32
    %dma_wait3A_100 = arith.constant 0 : i32
    %dma_wait3A_101 = tpu.memref_slice %arg10[%dma_wait3A_98, %dma_wait3A_99, %dma_wait3A_100] : memref<4x8x2048xf32, #tpu.memory_space<vmem>> -> memref<1x8x2048xf32, #tpu.memory_space<vmem>>
    %dma_wait3A_102 = tpu.memref_squeeze %dma_wait3A_101 : memref<1x8x2048xf32, #tpu.memory_space<vmem>> -> memref<8x2048xf32, #tpu.memory_space<vmem>>
    %dma_wait3A_103 = arith.constant 0 : i32
    %dma_wait3A_104 = tpu.memref_slice %arg7[%select_n3A, %add3A_97, %dma_wait3A_103] : memref<4x2080x2048xf32, #tpu.memory_space<hbm>> -> memref<1x8x2048xf32, #tpu.memory_space<hbm>>
    %dma_wait3A_105 = tpu.memref_squeeze %dma_wait3A_104 : memref<1x8x2048xf32, #tpu.memory_space<hbm>> -> memref<8x2048xf32, #tpu.memory_space<hbm>>
    %dma_wait3A_106 = arith.constant 0 : i32
    %dma_wait3A_107 = tpu.memref_slice %arg7[%select_n3A, %add3A_97, %dma_wait3A_106] : memref<4x2080x2048xf32, #tpu.memory_space<hbm>> -> memref<1x8x2048xf32, #tpu.memory_space<hbm>>
    %dma_wait3A_108 = tpu.memref_squeeze %dma_wait3A_107 : memref<1x8x2048xf32, #tpu.memory_space<hbm>> -> memref<8x2048xf32, #tpu.memory_space<hbm>>
    %dma_wait3A_109 = arith.constant 0 : i32
    %dma_wait3A_110 = arith.constant 0 : i32
    %dma_wait3A_111 = tpu.memref_slice %arg10[%dma_wait3A_98, %dma_wait3A_109, %dma_wait3A_110] : memref<4x8x2048xf32, #tpu.memory_space<vmem>> -> memref<1x8x2048xf32, #tpu.memory_space<vmem>>
    %dma_wait3A_112 = tpu.memref_squeeze %dma_wait3A_111 : memref<1x8x2048xf32, #tpu.memory_space<vmem>> -> memref<8x2048xf32, #tpu.memory_space<vmem>>
    tpu.wait_dma2 semaphore(%arg21 : memref<!tpu.dma_semaphore, #tpu.memory_space<semaphore_mem>>) src(%dma_wait3A_112 : memref<8x2048xf32, #tpu.memory_space<vmem>>) dst(%dma_wait3A_108 : memref<8x2048xf32, #tpu.memory_space<hbm>>)
    %add3A_113 = arith.constant 32 : i32
    %add3A_114 = arith.addi %add3A_113, %mul3A_32 : i32
    %add3A_115 = arith.constant 240 : i32
    %add3A_116 = arith.addi %add3A_114, %add3A_115 : i32
    %dma_wait3A_117 = arith.constant 2 : i32
    %dma_wait3A_118 = arith.constant 0 : i32
    %dma_wait3A_119 = arith.constant 0 : i32
    %dma_wait3A_120 = tpu.memref_slice %arg10[%dma_wait3A_117, %dma_wait3A_118, %dma_wait3A_119] : memref<4x8x2048xf32, #tpu.memory_space<vmem>> -> memref<1x8x2048xf32, #tpu.memory_space<vmem>>
    %dma_wait3A_121 = tpu.memref_squeeze %dma_wait3A_120 : memref<1x8x2048xf32, #tpu.memory_space<vmem>> -> memref<8x2048xf32, #tpu.memory_space<vmem>>
    %dma_wait3A_122 = arith.constant 0 : i32
    %dma_wait3A_123 = tpu.memref_slice %arg7[%select_n3A, %add3A_116, %dma_wait3A_122] : memref<4x2080x2048xf32, #tpu.memory_space<hbm>> -> memref<1x8x2048xf32, #tpu.memory_space<hbm>>
    %dma_wait3A_124 = tpu.memref_squeeze %dma_wait3A_123 : memref<1x8x2048xf32, #tpu.memory_space<hbm>> -> memref<8x2048xf32, #tpu.memory_space<hbm>>
    %dma_wait3A_125 = arith.constant 0 : i32
    %dma_wait3A_126 = tpu.memref_slice %arg7[%select_n3A, %add3A_116, %dma_wait3A_125] : memref<4x2080x2048xf32, #tpu.memory_space<hbm>> -> memref<1x8x2048xf32, #tpu.memory_space<hbm>>
    %dma_wait3A_127 = tpu.memref_squeeze %dma_wait3A_126 : memref<1x8x2048xf32, #tpu.memory_space<hbm>> -> memref<8x2048xf32, #tpu.memory_space<hbm>>
    %dma_wait3A_128 = arith.constant 0 : i32
    %dma_wait3A_129 = arith.constant 0 : i32
    %dma_wait3A_130 = tpu.memref_slice %arg10[%dma_wait3A_117, %dma_wait3A_128, %dma_wait3A_129] : memref<4x8x2048xf32, #tpu.memory_space<vmem>> -> memref<1x8x2048xf32, #tpu.memory_space<vmem>>
    %dma_wait3A_131 = tpu.memref_squeeze %dma_wait3A_130 : memref<1x8x2048xf32, #tpu.memory_space<vmem>> -> memref<8x2048xf32, #tpu.memory_space<vmem>>
    tpu.wait_dma2 semaphore(%arg22 : memref<!tpu.dma_semaphore, #tpu.memory_space<semaphore_mem>>) src(%dma_wait3A_131 : memref<8x2048xf32, #tpu.memory_space<vmem>>) dst(%dma_wait3A_127 : memref<8x2048xf32, #tpu.memory_space<hbm>>)
    %add3A_132 = arith.constant 32 : i32
    %add3A_133 = arith.addi %add3A_132, %mul3A_32 : i32
    %add3A_134 = arith.constant 248 : i32
    %add3A_135 = arith.addi %add3A_133, %add3A_134 : i32
    %dma_wait3A_136 = arith.constant 3 : i32
    %dma_wait3A_137 = arith.constant 0 : i32
    %dma_wait3A_138 = arith.constant 0 : i32
    %dma_wait3A_139 = tpu.memref_slice %arg10[%dma_wait3A_136, %dma_wait3A_137, %dma_wait3A_138] : memref<4x8x2048xf32, #tpu.memory_space<vmem>> -> memref<1x8x2048xf32, #tpu.memory_space<vmem>>
    %dma_wait3A_140 = tpu.memref_squeeze %dma_wait3A_139 : memref<1x8x2048xf32, #tpu.memory_space<vmem>> -> memref<8x2048xf32, #tpu.memory_space<vmem>>
    %dma_wait3A_141 = arith.constant 0 : i32
    %dma_wait3A_142 = tpu.memref_slice %arg7[%select_n3A, %add3A_135, %dma_wait3A_141] : memref<4x2080x2048xf32, #tpu.memory_space<hbm>> -> memref<1x8x2048xf32, #tpu.memory_space<hbm>>
    %dma_wait3A_143 = tpu.memref_squeeze %dma_wait3A_142 : memref<1x8x2048xf32, #tpu.memory_space<hbm>> -> memref<8x2048xf32, #tpu.memory_space<hbm>>
    %dma_wait3A_144 = arith.constant 0 : i32
    %dma_wait3A_145 = tpu.memref_slice %arg7[%select_n3A, %add3A_135, %dma_wait3A_144] : memref<4x2080x2048xf32, #tpu.memory_space<hbm>> -> memref<1x8x2048xf32, #tpu.memory_space<hbm>>
    %dma_wait3A_146 = tpu.memref_squeeze %dma_wait3A_145 : memref<1x8x2048xf32, #tpu.memory_space<hbm>> -> memref<8x2048xf32, #tpu.memory_space<hbm>>
    %dma_wait3A_147 = arith.constant 0 : i32
    %dma_wait3A_148 = arith.constant 0 : i32
    %dma_wait3A_149 = tpu.memref_slice %arg10[%dma_wait3A_136, %dma_wait3A_147, %dma_wait3A_148] : memref<4x8x2048xf32, #tpu.memory_space<vmem>> -> memref<1x8x2048xf32, #tpu.memory_space<vmem>>
    %dma_wait3A_150 = tpu.memref_squeeze %dma_wait3A_149 : memref<1x8x2048xf32, #tpu.memory_space<vmem>> -> memref<8x2048xf32, #tpu.memory_space<vmem>>
    tpu.wait_dma2 semaphore(%arg23 : memref<!tpu.dma_semaphore, #tpu.memory_space<semaphore_mem>>) src(%dma_wait3A_150 : memref<8x2048xf32, #tpu.memory_space<vmem>>) dst(%dma_wait3A_146 : memref<8x2048xf32, #tpu.memory_space<hbm>>)
    return
  }
}

</mosaic_0001>

<sc_bundles>
// kernel: _sc_embed.3.cloned.1.call-start
scs
__scs_entry_jumppad:
0x0: {  	(pc) =	sbr.rel $0x88, $3  }
0x1: {  	(tag) =	ssettag $0x0;
	lr =	simm.s32 $0x1  }
0x2: {  	[smem:$0x3F9C] =	sst lr;
	_ =	strace $0xD0000000  }
0x3: {  	_ = 	snop  }
0x4: {  	_ = 	snop  }
0x5: {  	_ = 	snop  }
0x6: {  	_ = 	snop  }
0x7: {  	_ = 	snop  }
__scs_overlays_trampoline_lowered:
0x8: {  	[smem:$0x3FAB] =	sst s0  }
0x9: {  	[smem:$0x3FAC] =	sst s1  }
0xa: {  	[smem:$0x3FAD] =	sst s2  }
0xb: {  	[smem:$0x3FAE] =	sst s3  }
0xc: {  	[smem:$0x3FAF] =	sst s4  }
0xd: {  	[smem:$0x3FB0] =	sst s5  }
0xe: {  	[smem:$0x3FB1] =	sst s6  }
0xf: {  	[smem:$0x3FB2] =	sst s7  }
0x10: {  	[smem:$0x3FB3] =	sst s8  }
0x11: {  	[smem:$0x3FB4] =	sst s9;
	s0 =	simm.s32 @!p0 $0x0  }
0x12: {  	s1 =	sld [smem:$0x3F9A];
	s0 =	simm.s32 @p0 $0x1  }
0x13: {  	[smem:$0x3FB5] =	sst s0;
	s0 =	simm.s32 @!p1 $0x0  }
0x14: {  	s2 =	sld [smem:$0x3F99];
	s0 =	simm.s32 @p1 $0x1  }
0x15: {  	[smem:$0x3FB6] =	sst s0;
	s0 =	simm.s32 @!p2 $0x0  }
0x16: {  	s3 =	sld [smem:$0x3FDB];
	s0 =	simm.s32 @p2 $0x1  }
0x17: {  	s4 =	simm.s32 $0x1BF5;
	[smem:$0x3FB8] =	sst s0  }
0x18: {  	s0 =	sld [smem:$0x3F9B];
	_ =	swait.ge [sflag:s4], $0x0  }
0x19: {  	s7 =	sld [smem:$0x3F9C]  }
0x1a: {  	s8 =	sadd.s32 $0xFFFFE003, lr  }
0x1b: {  	s9 =	sadd.s32 $0xFFFFFEF7, lr;
	s5 =	simm.s32 $0xFFFFFFFF;
	p2 =	slt.u32 s8, $0xFFFFF086  }
0x1c: {  	p1 =	slt.u32 s9, $0xF7A;
	s5 =	simm.s32 @!p2 $0x0  }
0x1d: {  	s5 =	simm.s32 @p1 $0x1;
	p0 =	seq.s32 s7, s2  }
0x1e: {  	s7 =	smul.u32 @!p0 $0xF7A, s2;
	p2 =	seq.s32 @!p0 s5, $0x0  }
0x1f: {  	s9 =	smul.u32 $0xF7A, s1;
	s8 =	simm.s32 @!p0 $0x1BF5;
	p2 =	por !p2, p0  }
0x20: {  	[sflag:s8] =	ssyncset.s32 @!p0 $0xFFFFF086;
	s6 =	sadd.s32 @!p0 s3, s7;
	s7 =	simm.s32 @!p0 $0x108  }
0x21: {  	s3 =	sadd.s32 s3, s9;
	s6 =	sadd.s32 @!p0 $0x88, s6;
	s7 =	simm.s32 @p2 $0x1082  }
0x22: {  	[simem:s7], [sflag:s8] =	dma.local @!p0 [hbm:s6], $0xF7A  }
0x23: {  	s9 =	sor.u32 $0xD0000000, s2;
	s6 =	simm.s32 $0x108;
	_ =	swait.ge @!p0 [sflag:s8], $0x0  }
0x24: {  	s3 =	sadd.s32 $0x88, s3;
	s6 =	simm.s32 @!p1 $0x1082;
	[sflag:s4] =	ssyncset.s32 $0xFFFFF086  }
0x25: {  	[simem:s6], [sflag:s4] =	dma.local [hbm:s3], $0xF7A  }
0x26: {  	[smem:$0x3F9C] =	sst s1;
	(tag) =	ssettag s2;
	_ =	strace s9  }
0x27: {  	s1 =	sld [smem:$0x3FAC]  }
0x28: {  	s2 =	sld [smem:$0x3FAD]  }
0x29: {  	s4 =	sld [smem:$0x3FAF]  }
0x2a: {  	p0 =	seq.s32 s5, $0x0;
	s5 =	sld [smem:$0x3FB0]  }
0x2b: {  	s6 =	sld [smem:$0x3FB1]  }
0x2c: {  	s7 =	sld [smem:$0x3FB2]  }
0x2d: {  	s3 =	simm.s32 $0x108;
	s8 =	sld [smem:$0x3FB3]  }
0x2e: {  	s3 =	simm.s32 @!p0 $0x1082;
	s9 =	sld [smem:$0x3FB4]  }
0x2f: {  	lr =	sadd.s32 s0, s3;
	s0 =	sld [smem:$0x3FAB]  }
0x30: {  	s3 =	sld [smem:$0x3FAE]  }
0x31: {  	[smem:$0x3FB7] =	sst s10  }
0x32: {  	s10 =	sld [smem:$0x3FB5];
	_ =	sdelay $0x3  }
0x33: {  	p0 =	seq.s32 s10, $0x1;
	s10 =	sld [smem:$0x3FB7];
	_ =	sdelay $0x3  }
0x34: {  	[smem:$0x3FB7] =	sst s10  }
0x35: {  	s10 =	sld [smem:$0x3FB6];
	_ =	sdelay $0x3  }
0x36: {  	p1 =	seq.s32 s10, $0x1;
	s10 =	sld [smem:$0x3FB7];
	_ =	sdelay $0x3  }
0x37: {  	[smem:$0x3FB7] =	sst s10  }
0x38: {  	s10 =	sld [smem:$0x3FB8]  }
0x39: {  	_ = 	snop;
	(pc) =	sbr.ind lr, $3  }
0x3a: {  	_ = 	snop  }
0x3b: {  	_ = 	snop  }
0x3c: {  	p2 =	seq.s32 s10, $0x1;
	s10 =	sld [smem:$0x3FB7]  }
0x3d: {  	_ =	shalt  }
0x3e: {  	_ =	shalt  }
0x3f: {  	_ =	shalt  }
0x40: {  	_ =	shalt  }
0x41: {  	_ =	shalt  }
0x42: {  	_ =	shalt  }
0x43: {  	_ =	shalt  }
0x44: {  	_ =	shalt  }
0x45: {  	_ =	shalt  }
0x46: {  	_ =	shalt  }
0x47: {  	_ =	shalt  }
0x48: {  	_ =	shalt  }
0x49: {  	_ =	shalt  }
0x4a: {  	_ =	shalt  }
0x4b: {  	_ =	shalt  }
0x4c: {  	_ =	shalt  }
0x4d: {  	_ =	shalt  }
0x4e: {  	_ =	shalt  }
0x4f: {  	_ =	shalt  }
0x50: {  	_ =	shalt  }
0x51: {  	_ =	shalt  }
0x52: {  	_ =	shalt  }
0x53: {  	_ =	shalt  }
0x54: {  	_ =	shalt  }
0x55: {  	_ =	shalt  }
0x56: {  	_ =	shalt  }
0x57: {  	_ =	shalt  }
0x58: {  	_ =	shalt  }
0x59: {  	_ =	shalt  }
0x5a: {  	_ =	shalt  }
0x5b: {  	_ =	shalt  }
0x5c: {  	_ =	shalt  }
0x5d: {  	_ =	shalt  }
0x5e: {  	_ =	shalt  }
0x5f: {  	_ =	shalt  }
0x60: {  	_ =	shalt  }
0x61: {  	_ =	shalt  }
0x62: {  	_ =	shalt  }
0x63: {  	_ =	shalt  }
0x64: {  	_ =	shalt  }
0x65: {  	_ =	shalt  }
0x66: {  	_ =	shalt  }
0x67: {  	_ =	shalt  }
0x68: {  	_ =	shalt  }
0x69: {  	_ =	shalt  }
0x6a: {  	_ =	shalt  }
0x6b: {  	_ =	shalt  }
0x6c: {  	_ =	shalt  }
0x6d: {  	_ =	shalt  }
0x6e: {  	_ =	shalt  }
0x6f: {  	_ =	shalt  }
0x70: {  	_ =	shalt  }
0x71: {  	_ =	shalt  }
0x72: {  	_ =	shalt  }
0x73: {  	_ =	shalt  }
0x74: {  	_ =	shalt  }
0x75: {  	_ =	shalt  }
0x76: {  	_ =	shalt  }
0x77: {  	_ =	shalt  }
0x78: {  	_ =	shalt  }
0x79: {  	_ =	shalt  }
0x7a: {  	_ =	shalt  }
0x7b: {  	_ =	shalt  }
0x7c: {  	_ =	shalt  }
0x7d: {  	_ =	shalt  }
0x7e: {  	_ =	shalt  }
0x7f: {  	_ =	shalt  }
0x80: {  	_ =	shalt  }
0x81: {  	_ =	shalt  }
0x82: {  	_ =	shalt  }
0x83: {  	_ =	shalt  }
0x84: {  	_ =	shalt  }
0x85: {  	_ =	shalt  }
0x86: {  	_ =	shalt  }
0x87: {  	_ =	shalt  }
.Lfunc_end0:
.L_simem_size_0:
called_computation_lowered:
.L_overlay_start_0:
0x88: {  	s2 =	sld [smem:$0x3FD9]  }
0x89: {  	s3 =	sld [smem:$0x3FFE];
	_ =	sdelay $0x1  }
0x8a: {  	s1 =	srdreg.scid  }
0x8b: {  	s0 =	sand.u32 $0x1, s1  }
0x8c: {  	s15 =	sshll.u32 s0, $0xA;
	s2 =	sadd.s32 s3, s2  }
0x8d: {  	s2 =	sadd.s32 s2, s15  }
0x8e: {  	[smem:$0x3FC3] =	sst s2  }
0x8f: {  	_ = 	snop  }
0x90: {  	s2 =	sld [smem:$0x3FC9]  }
0x91: {  	s16 =	sld [smem:$0x3FC8]  }
0x92: {  	s4 =	sld [smem:$0x3FD0]  }
0x93: {  	s5 =	sld [smem:$0x3FC7]  }
0x94: {  	s6 =	sld [smem:$0x3FC6]  }
0x95: {  	s8 =	simm.s32 $0xA;
	s9 =	simm.s32 $0x10;
	s7 =	sld [smem:$0x3FC5]  }
0x96: {  	[smem:s9], [sflag:s8] =	dma.local [hbm:s4], $0x1  }
0x97: {  	_ =	swait.eq [sflag:s8], $0x1  }
0x98: {  	[sflag:s8] =	ssyncset.done $0x0  }
0x99: {  	s17 =	sld [smem:$0x10];
	[sflag:s8] =	ssyncadd.s32 $0xFFFFFFFF  }
0x9a: {  	s18 =	sld [smem:$0x11];
	(tm) =	ssettm $0x1  }
0x9b: {  	s19 =	sld [smem:$0x3FFB];
	_ =	sdelay $0x3  }
0x9c: {  	_ =	strace s19  }
0x9d: {  	s9 =	sld [smem:$0x3FFC];
	_ =	sdelay $0x3  }
0x9e: {  	_ =	strace s9  }
0x9f: {  	s9 =	sld [smem:$0x3FFD];
	_ =	sdelay $0x3  }
0xa0: {  	_ =	strace s9  }
0xa1: {  	_ =	strace $0x8FFFFFFF  }
0xa2: {  	s20 =	sld [smem:$0x3FDB];
	_ =	sdelay $0x1  }
0xa3: {  	s10 =	simm.s32 $_scs_section_size  }
0xa4: {  	s11 =	simm.s32 $_size__tile_overlayer_lowered;
	s12 =	simm.s32 $_tile_overlayer_lowered  }
0xa5: {  	s23 =	simm.s32 $0x1BFF;
	s22 =	sshll.u32 s12, $0x1;
	s9 =	sadd.s32 s10, s20  }
0xa6: {  	s13 =	simm.s32 $0x0;
	s21 =	sshll.u32 s11, $0x1;
	s11 =	sadd.s32 s22, s9  }
0xa7: {  	[timem:s13], [sflag:s23] =	dma.local [hbm:s11], s21  }
0xa8: {  	_ =	swait.ge [sflag:s23], s21  }
0xa9: {  	s10 =	ssub.s32 $0x0, s21;
	[sflag:s23] =	ssyncset.done $0x0  }
0xaa: {  	[sflag:s23] =	ssyncadd.s32 s10;
	_ =	sdelay $0x1  }
0xab: {  	s24 =	simm.s32 $0x1B8B  }
0xac: {  	_ =	swait.ge [sflag:s24], $0x1  }
0xad: {  	[sflag:s24] =	ssyncset.done $0x0  }
0xae: {  	s25 =	simm.s32 $0x1B8E;
	[sflag:s24] =	ssyncadd.s32 $0xFFFFFFFF  }
0xaf: {  	s26 =	simm.s32 $execute0_lowered;
	[smem:$0x3FD2] =	sst s25  }
0xb0: {  	s10 =	sshll.u32 s26, $0x1;
	_ =	strace $0x80000046;
	[dreg:$0x1] =	wrdreg $0xFFFFFFFF  }
0xb1: {  	s28 =	simm.s32 $_size_execute0_lowered;
	s9 =	sadd.s32 s9, s10;
	[dreg:$0x0] =	wrdreg $0x0  }
0xb2: {  	s10 =	sshll.u32 s28, $0x1;
	[dreg:$0x2] =	wrdreg s9  }
0xb3: {  	[dreg:$0x3] =	wrdreg s10  }
0xb4: {  	[dreg:$0x4] =	wrdreg $0xC0  }
0xb5: {  	_ =	task [dreg:s13], $0x5FFFF  }
0xb6: {  	[dreg:$0x1] =	wrdreg $0xFFFFFFFF  }
0xb7: {  	[dreg:$0x0] =	wrdreg $0x60  }
0xb8: {  	[dreg:$0x2] =	wrdreg s2  }
0xb9: {  	[dreg:$0x3] =	wrdreg s16  }
0xba: {  	[dreg:$0x4] =	wrdreg s5  }
0xbb: {  	[dreg:$0x5] =	wrdreg s6  }
0xbc: {  	[dreg:$0x6] =	wrdreg s7  }
0xbd: {  	[dreg:$0x7] =	wrdreg s17  }
0xbe: {  	[dreg:$0x8] =	wrdreg s18  }
0xbf: {  	[dreg:$0x9] =	wrdreg $0x9  }
0xc0: {  	_ =	task.clear_ibuf [dreg:s13], $0xAFFFF;
	_ =	strace $0x90000046  }
0xc1: {  	s29 =	simm.s32 $0x9;
	_ =	strace $0x80000048  }
0xc2: {  	_ =	swait.ge [sflag:s29], $0x1  }
0xc3: {  	[sflag:s29] =	ssyncadd.s32 $0xFFFFFFFF  }
0xc4: {  	_ =	strace $0x90000048  }
0xc5: {  	_ =	sfence  }
0xc6: {  	s30 =	sld [smem:$0x0];
	_ =	sdelay $0x2  }
0xc7: {  	s31 =	sshll.u32 s1, $0xD;
	s1 =	sshrl.u32 s1, $0x2  }
0xc8: {  	s3 =	sand.u32 $0x4000, s31;
	s1 =	sadd.s32 s1, s30  }
0xc9: {  	s0 =	sor.u32 s3, s0;
	s1 =	sshll.u32 s1, $0x11  }
0xca: {  	s0 =	sor.u32 s1, s0  }
0xcb: {  	s0 =	sadd.s32 $0x8F2B, s0  }
0xcc: {  	[sflag:s0] =	ssyncadd.remote.s32 $0x1  }
0xcd: {  	_ =	sfence.sel $0xFFFF  }
0xce: {  	[dreg:$0x0] =	wrdreg $0xFFFFFFFF;
	(pc) =	sbr.abs _section_cstart, $3  }
0xcf: {  	[dreg:$0x1] =	wrdreg $0xFFFFFFFF  }
0xd0: {  	_ =	task.clear_ibuf [dreg:s13], $0x2FFFF;
	_ =	strace $0x9FFFFFFF  }
0xd1: {  	(tm) =	ssettm $0x7FFFFFFF  }
tec
execute0_lowered:
.L_overlay_start_1:
0x0: {  	(tag) =	ssettag $0x1  }
0x1: {  	s0 =	rddreg [dreg:$0x0]  }
0x2: {  	s3 =	rddreg [dreg:$0x3]  }
0x3: {  	s5 =	rddreg [dreg:$0x5]  }
0x4: {  	s1 =	srdreg.scid;
	s21 =	stileid.u32;
	s8 =	simm.s32 $0x0  }
0x5: {  	s9 =	simm.s32 $0x1;
	s10 =	simm.s32 $0x1;
	s20 =	simm.s32 $0xC900  }
0x6: {  	s22 =	simm.s32 $0xD100;
	s23 =	simm.s32 $0xD900;
	s24 =	simm.s32 $0xE100  }
0x7: {  	s25 =	simm.s32 $0xE900;
	s26 =	simm.s32 $0xF100;
	s29 =	simm.s32 $0xF900  }
0x8: {  	s28 =	simm.s32 $0x4100;
	s30 =	simm.s32 $0xC100;
	s31 =	simm.s32 $0x2  }
0x9: {  	s1 =	sand.u32 $0x1, s1;
	s4 =	sand.u32 $0x7, s21;
	[smem:$0x7FF] =	sst s8  }
0xa: {  	s11 =	sand.u32 $0x3, s21;
	_ =	strace $0x80000047;
	[dreg:$0x9] =	wrdreg s20  }
0xb: {  	s2 =	sshll.u32 s1, $0x4;
	p1 =	sne.s32 s4, $0x0;
	[dreg:$0xa] =	wrdreg s22  }
0xc: {  	s7 =	sshll.u32 s1, $0x3;
	p6 =	sne.s32 s11, $0x0;
	[dreg:$0xb] =	wrdreg s23  }
0xd: {  	s1 =	ssub.s32 $0x2, s1;
	s12 =	sshll.u32 s4, $0xA;
	[dreg:$0xc] =	wrdreg s24  }
0xe: {  	s16 =	sshll.u32 s11, $0xE;
	s18 =	sshll.u32 s11, $0x11;
	[dreg:$0xd] =	wrdreg s25  }
0xf: {  	s4 =	sshll.u32 s4, $0x13;
	s20 =	sadd.s32 $0x700, s3;
	[dreg:$0xe] =	wrdreg s26  }
0x10: {  	s24 =	simm.s32 $0x9;
	[dreg:$0xf] =	wrdreg s29;
	s2 =	sor.u32 s21, s2  }
0x11: {  	s7 =	sadd.s32 s21, s7;
	s15 =	sshrl.u32 s1, $0x1;
	[dreg:$0x12] =	wrdreg s18  }
0x12: {  	s18 =	sadd.s32 $0x500, s3;
	p0 =	seq.s32 s2, $0x0;
	s6 =	sshrl.u32 s2, $0x3  }
0x13: {  	p5 =	seq.s32 s7, $0x0;
	s7 =	sshrl.u32 s7, $0x2;
	p0 =	por !p1, !p0  }
0x14: {  	s1 =	ssub.s32 s1, s15;
	s15 =	sadd.s32 $0x200, s3;
	p0 =	por !p0, !p0  }
0x15: {  	s1 =	smax.u32 s1, $0x1;
	p1 =	sgt.u32 s21, $0x7;
	s9 =	simm.s32 @!p0 $0x0  }
0x16: {  	[dreg:$0x14] =	wrdreg s1;
	p0 =	por !p6, !p5;
	s6 =	ssub.s32 s6, s9  }
0x17: {  	s1 =	simm.s32 $0x8;
	p0 =	por !p0, !p0;
	s9 =	sshll.u32 s6, $0xB  }
0x18: {  	s10 =	simm.s32 @!p0 $0x0;
	s13 =	sshll.u32 s6, $0x7;
	s19 =	smul.u32 $0x410000, s6  }
0x19: {  	p0 =	sne.s32 s2, $0x1F;
	s2 =	simm.s32 $0x100;
	s6 =	simm.s32 $0x8100  }
0x1a: {  	s9 =	sand.u32 $0xFFFFE000, s9;
	s10 =	ssub.s32 s7, s10;
	s14 =	sand.u32 $0x180, s13  }
0x1b: {  	s12 =	sor.u32 s12, s9;
	[dreg:$0x10] =	wrdreg s10;
	s10 =	smul.u32 $0x410000, s10  }
0x1c: {  	s13 =	simm.s32 $0x4;
	s7 =	sor.u32 s14, s12;
	s14 =	sadd.s32 $0x100, s3  }
0x1d: {  	s12 =	simm.s32 $0x3;
	s7 =	sshrl.u32 s7, $0x3;
	s9 =	sor.u32 s16, s10  }
0x1e: {  	s10 =	simm.s32 $0x1;
	s0 =	sadd.s32 s0, s7;
	s17 =	sshrl.u32 s9, $0x3  }
0x1f: {  	v1 =	vlaneseq.u32;
	s16 =	sadd.s32 $0x300, s3;
	[dreg:$0x11] =	wrdreg s0;
	s0 =	sadd.s32 s5, s17  }
0x20: {  	v0 =	vimm.s32 $0x1;
	v2 =	vshrl.u32 v1, $0x3;
	s17 =	sadd.s32 $0x400, s3;
	[dreg:$0x13] =	wrdreg s0;
	s0 =	sadd.s32 s4, s19  }
0x21: {  	vm0 =	vmmov $0xffff;
	v1 =	vand.u32 $0x7, v1;
	v2 =	vmul.u32 $0x8, v2;
	s19 =	sadd.s32 $0x600, s3;
	s4 =	simm.s32 $0x0;
	[dreg:$0x8] =	wrdreg s0  }
.LBB2_1:
0x22: {  	s0 =	rddreg [dreg:$0x11]  }
.Ltmp0:
0x23: {  	s7 =	simm.s32 $0x80;
	s9 =	simm.s32 $0x200;
	(pc) =	sbr.rel @p0 .LBB2_5-.Ltmp0, $4  }
0x24: {  	[tilespmem:s8], [sflag:$0x9] =	stream.strided.gather [hbm4b:s0+s7], $0x100, s9, s7, $0x38;
	[tilespmem:$0x1C380] =	vst v63  }
0x25: {  	_ =	swait.ge [sflag:s24], $0x100  }
0x26: {  	[sflag:s24] =	ssyncset.done $0x0  }
0x27: {  	[sflag:s24] =	ssyncadd.s32 $0xFFFFFF00  }
0x28: {  	s7 =	simm.s32 $0x0;
	s0 =	rddreg [dreg:$0x1];
	s9 =	simm.s32 $0x18100  }
0x29: {  	[tilespmem:s9], [sflag:$0x9] =	stream.linear.gather [hbm4b:s0+s7], $0x2000, $0x38;
	[tilespmem:$0x1C380] =	vst v63  }
0x2a: {  	_ =	swait.ge [sflag:s24], $0x2000  }
0x2b: {  	[sflag:s24] =	ssyncset.done $0x0  }
0x2c: {  	[sflag:s24] =	ssyncadd.s32 $0xFFFFE000  }
0x2d: {  	[tilespmem:$0x1A100] =	vst v0  }
0x2e: {  	[tilespmem:$0x1A110] =	vst v0  }
0x2f: {  	[tilespmem:$0x1A180] =	vst v0  }
0x30: {  	[tilespmem:$0x1A190] =	vst v0  }
0x31: {  	[tilespmem:$0x1A200] =	vst v0  }
0x32: {  	s11 =	sand.u32 $0x70, s7;
	s22 =	sand.u32 $0x1E00, s7;
	[tilespmem:$0x1A210] =	vst v0  }
0x33: {  	s25 =	sand.u32 $0x180, s7;
	s11 =	sor.u32 s11, s22;
	[tilespmem:$0x1A280] =	vst v0  }
0x34: {  	s23 =	sand.u32 $0x7F0, s7;
	s11 =	sor.u32 s11, s25;
	[tilespmem:$0x1A290] =	vst v0  }
0x35: {  	s26 =	simm.s32 $0x1;
	s29 =	simm.s32 $0x10;
	v3 =	vld [tilespmem:s11+$0x18100];
	s11 =	sadd.s32 $0x20, s23  }
.LBB2_3:
0x36: {  	s22 =	sand.u32 $0x70, s29;
	s21 =	sshll.u32 s11, $0x2;
	s7 =	sadd.s32 $0x40, s7  }
0x37: {  	s9 =	smov.u32 s26;
	s11 =	sand.u32 $0x70, s11;
	p2 =	sne.s32 s26, $0x1FF  }
.Ltmp1:
0x38: {  	s23 =	sand.u32 $0x1E00, s7;
	s21 =	sand.u32 $0x3E00, s21;
	(pc) =	sbr.rel @p2 .LBB2_3-.Ltmp1, $4  }
0x39: {  	s26 =	sadd.s32 $0x1, s26;
	s11 =	sor.u32 s11, s21  }
0x3a: {  	s21 =	sor.u32 s22, s23;
	s11 =	sor.u32 s25, s11;
	s25 =	sand.u32 $0x180, s9  }
0x3b: {  	s9 =	sand.u32 $0x7F0, s29;
	s21 =	sor.u32 s21, s25;
	[tilespmem:s11+$0x1A100] =	vst v3  }
0x3c: {  	s29 =	sadd.s32 $0x10, s29;
	s11 =	sadd.s32 $0x20, s9;
	v3 =	vld [tilespmem:s21+$0x18100]  }
0x3d: {  	s7 =	sshll.u32 s11, $0x2  }
0x3e: {  	s9 =	sand.u32 $0x70, s11;
	s7 =	sand.u32 $0x3E00, s7  }
0x3f: {  	s7 =	sor.u32 s9, s7  }
0x40: {  	s7 =	sor.u32 s25, s7  }
0x41: {  	s0 =	rddreg [dreg:$0x6];
	s29 =	simm.s32 $0x1A100;
	[tilespmem:s7+$0x1A100] =	vst v3  }
0x42: {  	[hbm4b:s0+s8] =	stream.linear.scatter [tilespmem:s29], [sflag:$0x9], $0x2200, $0x38;
	[tilespmem:$0x1C380] =	vst v63  }
0x43: {  	_ =	swait.ge [sflag:s24], $0x2200  }
0x44: {  	[sflag:s24] =	ssyncset.done $0x0  }
0x45: {  	[sflag:s24] =	ssyncadd.s32 $0xFFFFDE00  }
.LBB2_5:
.Ltmp2:
0x46: {  	(pc) =	sbr.rel @p1 .LBB2_9-.Ltmp2, $1  }
0x47: {  	_ =	sdelay $0x3  }
0x48: {  	s7 =	simm.s32 $0x0;
	s0 =	rddreg [dreg:$0x2];
	s9 =	simm.s32 $0x1C300  }
0x49: {  	[tilespmem:s9], [sflag:$0x9] =	stream.linear.gather [hbm4b:s0+s7], $0x4, $0x38;
	[tilespmem:$0x1C380] =	vst v63  }
0x4a: {  	_ =	swait.ge [sflag:s24], $0x4  }
0x4b: {  	[sflag:s24] =	ssyncset.done $0x0  }
0x4c: {  	s23 =	rddreg [dreg:$0x10];
	[sflag:s24] =	ssyncadd.s32 $0xFFFFFFFC  }
0x4d: {  	v3 =	vld [tilespmem:s23+$0x1C300];
	_ =	sdelay $0x4  }
0x4e: {  	(v2sf) =	vpush v3, $0x0;
	_ =	sdelay $0xe  }
0x4f: {  	s25 =	spop (v2sf)  }
0x50: {  	s11 =	sshll.u32 s25, $0x10  }
0x51: {  	s26 =	rddreg [dreg:$0x12];
	s9 =	sshll.u32 s25, $0x7;
	s11 =	sand.u32 $0xFFF80000, s11  }
0x52: {  	s9 =	sand.u32 $0x380, s9;
	s11 =	sor.u32 s26, s11  }
0x53: {  	s9 =	sor.u32 s9, s11  }
0x54: {  	s22 =	simm.s32 $0x80;
	s21 =	rddreg [dreg:$0x4];
	s9 =	sshrl.u32 s9, $0x3  }
0x55: {  	s23 =	simm.s32 $0x400;
	s9 =	sadd.s32 s21, s9;
	s21 =	simm.s32 $0x14100  }
0x56: {  	[tilespmem:s21], [sflag:$0x9] =	stream.strided.gather [hbm4b:s9+s22], $0x4000, s23, s22, $0x38;
	[tilespmem:$0x1C380] =	vst v63  }
0x57: {  	s29 =	simm.s32 $0x0;
	s25 =	sand.u32 $0xE000, s7;
	_ =	swait.ge [sflag:s24], $0x4000  }
0x58: {  	s26 =	sand.u32 $0x7F0, s7;
	s9 =	sshrl.u32 s25, $0x2;
	[sflag:s24] =	ssyncset.done $0x0  }
0x59: {  	s11 =	sand.u32 $0x380, s7;
	s9 =	sor.u32 s26, s9;
	[sflag:s24] =	ssyncadd.s32 $0xFFFFC000  }
0x5a: {  	s25 =	simm.s32 $0x1;
	s22 =	simm.s32 $0x40;
	s26 =	simm.s32 $0x10;
	v3 =	vld [tilespmem:s9+$0x14100]  }
.LBB2_7:
0x5b: {  	s9 =	sand.u32 $0xE000, s22;
	s21 =	sand.u32 $0x70, s7;
	s23 =	sand.u32 $0x3C00, s29  }
0x5c: {  	s0 =	smov.u32 s25;
	s7 =	smov.u32 s26;
	p2 =	sne.s32 s25, $0x3FF  }
.Ltmp3:
0x5d: {  	s25 =	sadd.s32 $0x1, s25;
	s11 =	sor.u32 s11, s23;
	(pc) =	sbr.rel @p2 .LBB2_7-.Ltmp3, $4  }
0x5e: {  	s23 =	sand.u32 $0x7F0, s26;
	s9 =	sshrl.u32 s9, $0x2;
	s11 =	sor.u32 s21, s11  }
0x5f: {  	s9 =	sor.u32 s23, s9;
	[tilespmem:s11+$0x10100] =	vst v3  }
0x60: {  	s29 =	sadd.s32 $0x80, s29;
	v3 =	vld [tilespmem:s9+$0x14100]  }
0x61: {  	s22 =	sadd.s32 $0x40, s22;
	s26 =	sadd.s32 $0x10, s26;
	s11 =	sand.u32 $0x380, s0  }
0x62: {  	s0 =	sand.u32 $0x3C00, s29  }
0x63: {  	s7 =	sand.u32 $0x70, s7;
	s0 =	sor.u32 s11, s0  }
0x64: {  	s0 =	sor.u32 s7, s0  }
0x65: {  	s26 =	rddreg [dreg:$0x13];
	s29 =	simm.s32 $0x10100;
	[tilespmem:s0+$0x10100] =	vst v3  }
0x66: {  	[hbm4b:s26+s8] =	stream.linear.scatter [tilespmem:s29], [sflag:$0x9], $0x4000, $0x38;
	[tilespmem:$0x1C380] =	vst v63  }
0x67: {  	_ =	swait.ge [sflag:s24], $0x4000  }
0x68: {  	[sflag:s24] =	ssyncset.done $0x0  }
0x69: {  	[sflag:s24] =	ssyncadd.s32 $0xFFFFC000  }
.LBB2_9:
0x6a: {  	v3 =	vld.msk [tilespmem:$0x0], $0xff;
	_ =	sdelay $0x4  }
0x6b: {  	v4 =	vshll.u32 v3, $0x4  }
0x6c: {  	v3 =	vand.u32 $0x7, v3;
	v4 =	vand.u32 $0xFFFFFF80, v4  }
0x6d: {  	v3 =	vor.u32 v3, v4  }
0x6e: {  	v3 =	vperm.xlane v3, v1;
	_ =	sdelay $0x1  }
0x6f: {  	v3 =	vadd.s32 v2, v3;
	_ =	sdelay $0x3  }
0x70: {  	s7 =	simm.s32 $0x0  }
0x71: {  	[tilespmem:s2], [sflag:$0x1] =	stream.indirect_vreg.gather [hbm4b:s3+s7], $0x80, v3, vm0, $0xb8;
	[tilespmem:$0x1C380] =	vst v63  }
0x72: {  	s0 =	simm.s32 $0x900  }
0x73: {  	[tilespmem:s0], [sflag:$0x1] =	stream.indirect_vreg.gather [hbm4b:s14+s7], $0x80, v3, vm0, $0xb8;
	[tilespmem:$0x1C380] =	vst v63  }
0x74: {  	s23 =	simm.s32 $0x1100  }
0x75: {  	[tilespmem:s23], [sflag:$0x1] =	stream.indirect_vreg.gather [hbm4b:s15+s7], $0x80, v3, vm0, $0xb8;
	[tilespmem:$0x1C380] =	vst v63  }
0x76: {  	s25 =	simm.s32 $0x1900  }
0x77: {  	[tilespmem:s25], [sflag:$0x1] =	stream.indirect_vreg.gather [hbm4b:s16+s7], $0x80, v3, vm0, $0xb8;
	[tilespmem:$0x1C380] =	vst v63  }
0x78: {  	s26 =	simm.s32 $0x2100  }
0x79: {  	[tilespmem:s26], [sflag:$0x1] =	stream.indirect_vreg.gather [hbm4b:s17+s7], $0x80, v3, vm0, $0xb8;
	[tilespmem:$0x1C380] =	vst v63  }
0x7a: {  	s29 =	simm.s32 $0x2900  }
0x7b: {  	[tilespmem:s29], [sflag:$0x1] =	stream.indirect_vreg.gather [hbm4b:s18+s7], $0x80, v3, vm0, $0xb8;
	[tilespmem:$0x1C380] =	vst v63  }
0x7c: {  	s9 =	simm.s32 $0x3100  }
0x7d: {  	[tilespmem:s9], [sflag:$0x1] =	stream.indirect_vreg.gather [hbm4b:s19+s7], $0x80, v3, vm0, $0xb8;
	[tilespmem:$0x1C380] =	vst v63  }
0x7e: {  	s11 =	simm.s32 $0x3900  }
0x7f: {  	[tilespmem:s11], [sflag:$0x1] =	stream.indirect_vreg.gather [hbm4b:s20+s7], $0x80, v3, vm0, $0xb8;
	[tilespmem:$0x1C380] =	vst v63  }
0x80: {  	v3 =	vld.msk [tilespmem:$0x8], $0xff;
	_ =	sdelay $0x4  }
0x81: {  	v62 =	vshll.u32 v3, $0x4  }
0x82: {  	v3 =	vand.u32 $0x7, v3;
	v4 =	vand.u32 $0xFFFFFF80, v62  }
0x83: {  	v3 =	vor.u32 v3, v4  }
0x84: {  	v3 =	vperm.xlane v3, v1;
	_ =	sdelay $0x1  }
0x85: {  	v3 =	vadd.s32 v2, v3;
	_ =	sdelay $0x4  }
0x86: {  	[tilespmem:s28], [sflag:$0x2] =	stream.indirect_vreg.gather [hbm4b:s3+s7], $0x80, v3, vm0, $0xb8;
	[tilespmem:$0x1C380] =	vst v63  }
0x87: {  	s21 =	simm.s32 $0x4900  }
0x88: {  	[tilespmem:s21], [sflag:$0x2] =	stream.indirect_vreg.gather [hbm4b:s14+s7], $0x80, v3, vm0, $0xb8;
	[tilespmem:$0x1C380] =	vst v63  }
0x89: {  	s22 =	simm.s32 $0x5100  }
0x8a: {  	[tilespmem:s22], [sflag:$0x2] =	stream.indirect_vreg.gather [hbm4b:s15+s7], $0x80, v3, vm0, $0xb8;
	[tilespmem:$0x1C380] =	vst v63  }
0x8b: {  	s23 =	simm.s32 $0x5900  }
0x8c: {  	[tilespmem:s23], [sflag:$0x2] =	stream.indirect_vreg.gather [hbm4b:s16+s7], $0x80, v3, vm0, $0xb8;
	[tilespmem:$0x1C380] =	vst v63  }
0x8d: {  	s25 =	simm.s32 $0x6100  }
0x8e: {  	[tilespmem:s25], [sflag:$0x2] =	stream.indirect_vreg.gather [hbm4b:s17+s7], $0x80, v3, vm0, $0xb8;
	[tilespmem:$0x1C380] =	vst v63  }
0x8f: {  	s26 =	simm.s32 $0x6900  }
0x90: {  	[tilespmem:s26], [sflag:$0x2] =	stream.indirect_vreg.gather [hbm4b:s18+s7], $0x80, v3, vm0, $0xb8;
	[tilespmem:$0x1C380] =	vst v63  }
0x91: {  	s29 =	simm.s32 $0x7100  }
0x92: {  	[tilespmem:s29], [sflag:$0x2] =	stream.indirect_vreg.gather [hbm4b:s19+s7], $0x80, v3, vm0, $0xb8;
	[tilespmem:$0x1C380] =	vst v63  }
0x93: {  	s9 =	simm.s32 $0x7900  }
0x94: {  	[tilespmem:s9], [sflag:$0x2] =	stream.indirect_vreg.gather [hbm4b:s20+s7], $0x80, v3, vm0, $0xb8;
	[tilespmem:$0x1C380] =	vst v63  }
0x95: {  	v3 =	vld.msk [tilespmem:$0x10], $0xff;
	_ =	sdelay $0x4  }
0x96: {  	v63 =	vshll.u32 v3, $0x4  }
0x97: {  	v3 =	vand.u32 $0x7, v3;
	v4 =	vand.u32 $0xFFFFFF80, v63  }
0x98: {  	v3 =	vor.u32 v3, v4  }
0x99: {  	v3 =	vperm.xlane v3, v1;
	_ =	sdelay $0x1  }
0x9a: {  	v3 =	vadd.s32 v2, v3;
	_ =	sdelay $0x4  }
0x9b: {  	[tilespmem:s6], [sflag:$0x3] =	stream.indirect_vreg.gather [hbm4b:s3+s7], $0x80, v3, vm0, $0xb8;
	[tilespmem:$0x1C380] =	vst v63  }
0x9c: {  	s11 =	simm.s32 $0x8900  }
0x9d: {  	[tilespmem:s11], [sflag:$0x3] =	stream.indirect_vreg.gather [hbm4b:s14+s7], $0x80, v3, vm0, $0xb8;
	[tilespmem:$0x1C380] =	vst v63  }
0x9e: {  	s21 =	simm.s32 $0x9100  }
0x9f: {  	[tilespmem:s21], [sflag:$0x3] =	stream.indirect_vreg.gather [hbm4b:s15+s7], $0x80, v3, vm0, $0xb8;
	[tilespmem:$0x1C380] =	vst v63  }
0xa0: {  	s22 =	simm.s32 $0x9900  }
0xa1: {  	[tilespmem:s22], [sflag:$0x3] =	stream.indirect_vreg.gather [hbm4b:s16+s7], $0x80, v3, vm0, $0xb8;
	[tilespmem:$0x1C380] =	vst v63  }
0xa2: {  	s23 =	simm.s32 $0xA100  }
0xa3: {  	[tilespmem:s23], [sflag:$0x3] =	stream.indirect_vreg.gather [hbm4b:s17+s7], $0x80, v3, vm0, $0xb8;
	[tilespmem:$0x1C380] =	vst v63  }
0xa4: {  	s25 =	simm.s32 $0xA900  }
0xa5: {  	[tilespmem:s25], [sflag:$0x3] =	stream.indirect_vreg.gather [hbm4b:s18+s7], $0x80, v3, vm0, $0xb8;
	[tilespmem:$0x1C380] =	vst v63  }
0xa6: {  	s26 =	simm.s32 $0xB100  }
0xa7: {  	[tilespmem:s26], [sflag:$0x3] =	stream.indirect_vreg.gather [hbm4b:s19+s7], $0x80, v3, vm0, $0xb8;
	[tilespmem:$0x1C380] =	vst v63  }
0xa8: {  	s29 =	simm.s32 $0xB900;
	s25 =	simm.s32 $0x30  }
0xa9: {  	[tilespmem:s29], [sflag:$0x3] =	stream.indirect_vreg.gather [hbm4b:s20+s7], $0x80, v3, vm0, $0xb8;
	[tilespmem:$0x1C380] =	vst v63  }
.LBB2_10:
0xaa: {  	p2 =	seq.s32 s7, $0x0  }
0xab: {  	s0 =	simm.s32 @!p2 $0x8  }
0xac: {  	_ =	swait.ge @!p2 [sflag:s0], $0x4000  }
0xad: {  	[sflag:s0] =	ssyncset.done @!p2 $0x0  }
0xae: {  	[sflag:s0] =	ssyncadd.s32 @!p2 $0xFFFFC000  }
0xaf: {  	v3 =	vld.msk [tilespmem:s25+$0xFFFFFFE8], $0xff;
	_ =	sdelay $0x4  }
0xb0: {  	v4 =	vshll.u32 v3, $0x4  }
0xb1: {  	v3 =	vand.u32 $0x7, v3;
	v4 =	vand.u32 $0xFFFFFF80, v4  }
0xb2: {  	v3 =	vor.u32 v3, v4  }
0xb3: {  	v3 =	vperm.xlane v3, v1;
	_ =	sdelay $0x1  }
0xb4: {  	v3 =	vadd.s32 v2, v3;
	_ =	sdelay $0x4  }
0xb5: {  	[tilespmem:s30], [sflag:$0x4] =	stream.indirect_vreg.gather [hbm4b:s3+s8], $0x80, v3, vm0, $0xb8;
	[tilespmem:$0x1C380] =	vst v63  }
0xb6: {  	s21 =	rddreg [dreg:$0x9]  }
0xb7: {  	[tilespmem:s21], [sflag:$0x4] =	stream.indirect_vreg.gather [hbm4b:s14+s8], $0x80, v3, vm0, $0xb8;
	[tilespmem:$0x1C380] =	vst v63  }
0xb8: {  	s9 =	rddreg [dreg:$0xa]  }
0xb9: {  	[tilespmem:s9], [sflag:$0x4] =	stream.indirect_vreg.gather [hbm4b:s15+s8], $0x80, v3, vm0, $0xb8;
	[tilespmem:$0x1C380] =	vst v63  }
0xba: {  	s22 =	rddreg [dreg:$0xb]  }
0xbb: {  	[tilespmem:s22], [sflag:$0x4] =	stream.indirect_vreg.gather [hbm4b:s16+s8], $0x80, v3, vm0, $0xb8;
	[tilespmem:$0x1C380] =	vst v63  }
0xbc: {  	s23 =	rddreg [dreg:$0xc]  }
0xbd: {  	[tilespmem:s23], [sflag:$0x4] =	stream.indirect_vreg.gather [hbm4b:s17+s8], $0x80, v3, vm0, $0xb8;
	[tilespmem:$0x1C380] =	vst v63  }
0xbe: {  	s26 =	rddreg [dreg:$0xd]  }
0xbf: {  	[tilespmem:s26], [sflag:$0x4] =	stream.indirect_vreg.gather [hbm4b:s18+s8], $0x80, v3, vm0, $0xb8;
	[tilespmem:$0x1C380] =	vst v63  }
0xc0: {  	s29 =	rddreg [dreg:$0xe]  }
0xc1: {  	[tilespmem:s29], [sflag:$0x4] =	stream.indirect_vreg.gather [hbm4b:s19+s8], $0x80, v3, vm0, $0xb8;
	[tilespmem:$0x1C380] =	vst v63  }
0xc2: {  	s11 =	rddreg [dreg:$0xf]  }
0xc3: {  	[tilespmem:s11], [sflag:$0x4] =	stream.indirect_vreg.gather [hbm4b:s20+s8], $0x80, v3, vm0, $0xb8;
	[tilespmem:$0x1C380] =	vst v63  }
0xc4: {  	_ =	swait.ge [sflag:s10], $0x4000  }
0xc5: {  	s21 =	rddreg [dreg:$0x8]  }
0xc6: {  	s26 =	sadd.s32 s7, s21  }
0xc7: {  	s0 =	sadd.s32 $0x10000, s26  }
0xc8: {  	[sflag:s10] =	ssyncset.done $0x0;
	s0 =	sshrl.u32 s0, $0x3  }
0xc9: {  	p2 =	seq.s32 s7, $0x70000;
	[sflag:s10] =	ssyncadd.s32 $0xFFFFC000;
	s0 =	sadd.s32 s5, s0  }
0xca: {  	[hbm4b:s0+s8] =	stream.linear.scatter [tilespmem:s2], [sflag:$0x5], $0x4000, $0x38;
	[tilespmem:$0x1C380] =	vst v63  }
0xcb: {  	s0 =	simm.s32 @!p2 $0x5  }
0xcc: {  	_ =	swait.ge @!p2 [sflag:s0], $0x4000  }
0xcd: {  	[sflag:s0] =	ssyncset.done @!p2 $0x0  }
0xce: {  	[sflag:s0] =	ssyncadd.s32 @!p2 $0xFFFFC000  }
0xcf: {  	v3 =	vld.msk @!p2 [tilespmem:s25+$0xFFFFFFF0], $0xff;
	_ =	sdelay $0x4  }
0xd0: {  	v4 =	vshll.u32 @!p2 v3, $0x4  }
0xd1: {  	v5 =	vlaneseq.u32 @!p2;
	v3 =	vand.u32 @!p2 $0x7, v3;
	v4 =	vand.u32 @!p2 $0xFFFFFF80, v4  }
0xd2: {  	v3 =	vor.u32 @!p2 v3, v4;
	v4 =	vand.u32 @!p2 $0x7, v5;
	v5 =	vshrl.u32 @!p2 v5, $0x3  }
0xd3: {  	v3 =	vperm.xlane @!p2 v3, v4;
	v5 =	vmul.u32 @!p2 $0x8, v5;
	_ =	sdelay $0x1  }
0xd4: {  	v3 =	vadd.s32 @!p2 v5, v3;
	_ =	sdelay $0x3  }
0xd5: {  	vm1 =	vmmov @!p2 $0xffff;
	s29 =	simm.s32 @!p2 $0x0;
	s0 =	simm.s32 @!p2 $0x100  }
0xd6: {  	[tilespmem:s0], [sflag:$0x1] =	stream.indirect_vreg.gather @!p2 [hbm4b:s3+s29], $0x80, v3, vm1, $0xb8;
	[tilespmem:$0x1C380] =	vst v63  }
0xd7: {  	s0 =	simm.s32 @!p2 $0x900  }
0xd8: {  	[tilespmem:s0], [sflag:$0x1] =	stream.indirect_vreg.gather @!p2 [hbm4b:s14+s29], $0x80, v3, vm1, $0xb8;
	[tilespmem:$0x1C380] =	vst v63  }
0xd9: {  	s0 =	simm.s32 @!p2 $0x1100  }
0xda: {  	[tilespmem:s0], [sflag:$0x1] =	stream.indirect_vreg.gather @!p2 [hbm4b:s15+s29], $0x80, v3, vm1, $0xb8;
	[tilespmem:$0x1C380] =	vst v63  }
0xdb: {  	s0 =	simm.s32 @!p2 $0x1900  }
0xdc: {  	[tilespmem:s0], [sflag:$0x1] =	stream.indirect_vreg.gather @!p2 [hbm4b:s16+s29], $0x80, v3, vm1, $0xb8;
	[tilespmem:$0x1C380] =	vst v63  }
0xdd: {  	s0 =	simm.s32 @!p2 $0x2100  }
0xde: {  	[tilespmem:s0], [sflag:$0x1] =	stream.indirect_vreg.gather @!p2 [hbm4b:s17+s29], $0x80, v3, vm1, $0xb8;
	[tilespmem:$0x1C380] =	vst v63  }
0xdf: {  	s0 =	simm.s32 @!p2 $0x2900  }
0xe0: {  	[tilespmem:s0], [sflag:$0x1] =	stream.indirect_vreg.gather @!p2 [hbm4b:s18+s29], $0x80, v3, vm1, $0xb8;
	[tilespmem:$0x1C380] =	vst v63  }
0xe1: {  	s0 =	simm.s32 @!p2 $0x3100  }
0xe2: {  	[tilespmem:s0], [sflag:$0x1] =	stream.indirect_vreg.gather @!p2 [hbm4b:s19+s29], $0x80, v3, vm1, $0xb8;
	[tilespmem:$0x1C380] =	vst v63  }
0xe3: {  	s0 =	simm.s32 @!p2 $0x3900  }
0xe4: {  	[tilespmem:s0], [sflag:$0x1] =	stream.indirect_vreg.gather @!p2 [hbm4b:s20+s29], $0x80, v3, vm1, $0xb8;
	[tilespmem:$0x1C380] =	vst v63  }
0xe5: {  	s22 =	sadd.s32 $0x14000, s26;
	_ =	swait.ge [sflag:s31], $0x4000  }
0xe6: {  	s0 =	sshrl.u32 s22, $0x3;
	[sflag:s31] =	ssyncset.done $0x0  }
0xe7: {  	s0 =	sadd.s32 s5, s0;
	[sflag:s31] =	ssyncadd.s32 $0xFFFFC000  }
0xe8: {  	[hbm4b:s0+s8] =	stream.linear.scatter [tilespmem:s28], [sflag:$0x6], $0x4000, $0x38;
	[tilespmem:$0x1C380] =	vst v63  }
0xe9: {  	s0 =	simm.s32 @!p2 $0x6  }
0xea: {  	_ =	swait.ge @!p2 [sflag:s0], $0x4000  }
0xeb: {  	[sflag:s0] =	ssyncset.done @!p2 $0x0  }
0xec: {  	[sflag:s0] =	ssyncadd.s32 @!p2 $0xFFFFC000  }
0xed: {  	v3 =	vld.msk @!p2 [tilespmem:s25+$0xFFFFFFF8], $0xff;
	_ =	sdelay $0x4  }
0xee: {  	v6 =	vshll.u32 @!p2 v3, $0x4  }
0xef: {  	v3 =	vand.u32 @!p2 $0x7, v3;
	v6 =	vand.u32 @!p2 $0xFFFFFF80, v6  }
0xf0: {  	v3 =	vor.u32 @!p2 v3, v6  }
0xf1: {  	v3 =	vperm.xlane @!p2 v3, v4;
	_ =	sdelay $0x1  }
0xf2: {  	v3 =	vadd.s32 @!p2 v5, v3;
	_ =	sdelay $0x3  }
0xf3: {  	s0 =	simm.s32 @!p2 $0x4100  }
0xf4: {  	[tilespmem:s0], [sflag:$0x2] =	stream.indirect_vreg.gather @!p2 [hbm4b:s3+s29], $0x80, v3, vm1, $0xb8;
	[tilespmem:$0x1C380] =	vst v63  }
0xf5: {  	s0 =	simm.s32 @!p2 $0x4900  }
0xf6: {  	[tilespmem:s0], [sflag:$0x2] =	stream.indirect_vreg.gather @!p2 [hbm4b:s14+s29], $0x80, v3, vm1, $0xb8;
	[tilespmem:$0x1C380] =	vst v63  }
0xf7: {  	s0 =	simm.s32 @!p2 $0x5100  }
0xf8: {  	[tilespmem:s0], [sflag:$0x2] =	stream.indirect_vreg.gather @!p2 [hbm4b:s15+s29], $0x80, v3, vm1, $0xb8;
	[tilespmem:$0x1C380] =	vst v63  }
0xf9: {  	s0 =	simm.s32 @!p2 $0x5900  }
0xfa: {  	[tilespmem:s0], [sflag:$0x2] =	stream.indirect_vreg.gather @!p2 [hbm4b:s16+s29], $0x80, v3, vm1, $0xb8;
	[tilespmem:$0x1C380] =	vst v63  }
0xfb: {  	s0 =	simm.s32 @!p2 $0x6100  }
0xfc: {  	[tilespmem:s0], [sflag:$0x2] =	stream.indirect_vreg.gather @!p2 [hbm4b:s17+s29], $0x80, v3, vm1, $0xb8;
	[tilespmem:$0x1C380] =	vst v63  }
0xfd: {  	s0 =	simm.s32 @!p2 $0x6900  }
0xfe: {  	[tilespmem:s0], [sflag:$0x2] =	stream.indirect_vreg.gather @!p2 [hbm4b:s18+s29], $0x80, v3, vm1, $0xb8;
	[tilespmem:$0x1C380] =	vst v63  }
0xff: {  	s0 =	simm.s32 @!p2 $0x7100  }
0x100: {  	[tilespmem:s0], [sflag:$0x2] =	stream.indirect_vreg.gather @!p2 [hbm4b:s19+s29], $0x80, v3, vm1, $0xb8;
	[tilespmem:$0x1C380] =	vst v63  }
0x101: {  	s0 =	simm.s32 @!p2 $0x7900  }
0x102: {  	[tilespmem:s0], [sflag:$0x2] =	stream.indirect_vreg.gather @!p2 [hbm4b:s20+s29], $0x80, v3, vm1, $0xb8;
	[tilespmem:$0x1C380] =	vst v63  }
0x103: {  	s23 =	sadd.s32 $0x18000, s26;
	_ =	swait.ge [sflag:s12], $0x4000  }
0x104: {  	s0 =	sshrl.u32 s23, $0x3;
	[sflag:s12] =	ssyncset.done $0x0  }
0x105: {  	s0 =	sadd.s32 s5, s0;
	[sflag:s12] =	ssyncadd.s32 $0xFFFFC000  }
0x106: {  	[hbm4b:s0+s8] =	stream.linear.scatter [tilespmem:s6], [sflag:$0x7], $0x4000, $0x38;
	[tilespmem:$0x1C380] =	vst v63  }
0x107: {  	s0 =	simm.s32 @!p2 $0x7  }
0x108: {  	_ =	swait.ge @!p2 [sflag:s0], $0x4000  }
0x109: {  	[sflag:s0] =	ssyncset.done @!p2 $0x0  }
0x10a: {  	[sflag:s0] =	ssyncadd.s32 @!p2 $0xFFFFC000  }
0x10b: {  	v3 =	vld.msk @!p2 [tilespmem:s25+$0x0], $0xff;
	_ =	sdelay $0x4  }
0x10c: {  	v6 =	vshll.u32 @!p2 v3, $0x4  }
0x10d: {  	v3 =	vand.u32 @!p2 $0x7, v3;
	v6 =	vand.u32 @!p2 $0xFFFFFF80, v6  }
0x10e: {  	v3 =	vor.u32 @!p2 v3, v6  }
0x10f: {  	v3 =	vperm.xlane @!p2 v3, v4;
	_ =	sdelay $0x1  }
0x110: {  	v3 =	vadd.s32 @!p2 v5, v3;
	_ =	sdelay $0x3  }
0x111: {  	s0 =	simm.s32 @!p2 $0x8100  }
0x112: {  	[tilespmem:s0], [sflag:$0x3] =	stream.indirect_vreg.gather @!p2 [hbm4b:s3+s29], $0x80, v3, vm1, $0xb8;
	[tilespmem:$0x1C380] =	vst v63  }
0x113: {  	s0 =	simm.s32 @!p2 $0x8900  }
0x114: {  	[tilespmem:s0], [sflag:$0x3] =	stream.indirect_vreg.gather @!p2 [hbm4b:s14+s29], $0x80, v3, vm1, $0xb8;
	[tilespmem:$0x1C380] =	vst v63  }
0x115: {  	s0 =	simm.s32 @!p2 $0x9100  }
0x116: {  	[tilespmem:s0], [sflag:$0x3] =	stream.indirect_vreg.gather @!p2 [hbm4b:s15+s29], $0x80, v3, vm1, $0xb8;
	[tilespmem:$0x1C380] =	vst v63  }
0x117: {  	s0 =	simm.s32 @!p2 $0x9900  }
0x118: {  	[tilespmem:s0], [sflag:$0x3] =	stream.indirect_vreg.gather @!p2 [hbm4b:s16+s29], $0x80, v3, vm1, $0xb8;
	[tilespmem:$0x1C380] =	vst v63  }
0x119: {  	s0 =	simm.s32 @!p2 $0xA100  }
0x11a: {  	[tilespmem:s0], [sflag:$0x3] =	stream.indirect_vreg.gather @!p2 [hbm4b:s17+s29], $0x80, v3, vm1, $0xb8;
	[tilespmem:$0x1C380] =	vst v63  }
0x11b: {  	s0 =	simm.s32 @!p2 $0xA900  }
0x11c: {  	[tilespmem:s0], [sflag:$0x3] =	stream.indirect_vreg.gather @!p2 [hbm4b:s18+s29], $0x80, v3, vm1, $0xb8;
	[tilespmem:$0x1C380] =	vst v63  }
0x11d: {  	s0 =	simm.s32 @!p2 $0xB100  }
0x11e: {  	[tilespmem:s0], [sflag:$0x3] =	stream.indirect_vreg.gather @!p2 [hbm4b:s19+s29], $0x80, v3, vm1, $0xb8;
	[tilespmem:$0x1C380] =	vst v63  }
0x11f: {  	s7 =	sadd.s32 $0x10000, s7;
	s0 =	simm.s32 @!p2 $0xB900  }
0x120: {  	[tilespmem:s0], [sflag:$0x3] =	stream.indirect_vreg.gather @!p2 [hbm4b:s20+s29], $0x80, v3, vm1, $0xb8;
	[tilespmem:$0x1C380] =	vst v63  }
0x121: {  	p2 =	sne.s32 s7, $0x80000  }
.Ltmp4:
0x122: {  	_ = 	snop;
	(pc) =	sbr.rel @p2 .LBB2_10-.Ltmp4, $4  }
0x123: {  	s29 =	sadd.s32 $0x1C000, s26;
	_ =	swait.ge [sflag:s13], $0x4000  }
0x124: {  	s0 =	sshrl.u32 s29, $0x3;
	[sflag:s13] =	ssyncset.done $0x0  }
0x125: {  	s25 =	sadd.s32 $0x20, s25;
	s0 =	sadd.s32 s5, s0;
	[sflag:s13] =	ssyncadd.s32 $0xFFFFC000  }
0x126: {  	[hbm4b:s0+s8] =	stream.linear.scatter [tilespmem:s30], [sflag:$0x8], $0x4000, $0x38;
	[tilespmem:$0x1C380] =	vst v63  }
0x127: {  	s0 =	simm.s32 $0x5  }
0x128: {  	_ =	swait.ge [sflag:s0], $0x4000  }
0x129: {  	[sflag:s0] =	ssyncset.done $0x0  }
0x12a: {  	s25 =	simm.s32 $0x6;
	[sflag:s0] =	ssyncadd.s32 $0xFFFFC000  }
0x12b: {  	_ =	swait.ge [sflag:s25], $0x4000  }
0x12c: {  	[sflag:s25] =	ssyncset.done $0x0  }
0x12d: {  	s26 =	simm.s32 $0x7;
	[sflag:s25] =	ssyncadd.s32 $0xFFFFC000  }
0x12e: {  	_ =	swait.ge [sflag:s26], $0x4000  }
0x12f: {  	[sflag:s26] =	ssyncset.done $0x0  }
0x130: {  	[sflag:s26] =	ssyncadd.s32 $0xFFFFC000  }
0x131: {  	_ =	swait.ge [sflag:s1], $0x4000  }
0x132: {  	s4 =	sadd.s32 $0x1, s4;
	s29 =	rddreg [dreg:$0x14]  }
0x133: {  	p2 =	sne.s32 s4, s29  }
.Ltmp5:
0x134: {  	_ = 	snop;
	(pc) =	sbr.rel @p2 .LBB2_1-.Ltmp5, $3  }
0x135: {  	_ =	sdelay $0x1  }
0x136: {  	[sflag:s1] =	ssyncset.done $0x0  }
0x137: {  	[sflag:s1] =	ssyncadd.s32 $0xFFFFC000  }
0x138: {  	_ =	sfence.sel $0x180000  }
0x139: {  	[bflag:$0x0] =	sbarrier.arrive $0xFFFF  }
0x13a: {  	_ =	strace $0x90000047  }
0x13b: {  	s0 =	stileid.u32;
	[bflag:$0x2] =	sbarrier.arrive $0xFFFF  }
0x13c: {  	p0 =	sne.s32 s0, $0x0;
	s0 =	rddreg [dreg:$0x7]  }
0x13d: {  	s0 =	sadd.s32 @!p0 $0x100000, s0  }
0x13e: {  	[sflag:s0] =	ssyncadd.tile.s32 @!p0 $0x1;
	_ =	shalt  }
.Lfunc_end2:
_tile_overlayer_lowered:
.L_overlay_start_2:
0x13f: {  	(tag) =	ssettag $0x2  }
0x140: {  	s0 =	rddreg [dreg:$0x0];
	s2 =	stileid.u32  }
0x141: {  	s1 =	rddreg [dreg:$0x1];
	p0 =	sne.s32 s2, $0x0  }
0x142: {  	s3 =	rddreg [dreg:$0x2];
	[bflag:$0x3] =	sbarrier.arrive $0xFFFF;
	s2 =	simm.s32 @!p0 $0x1C09  }
0x143: {  	[timem:s3], [sflag:s2] =	dma.local @!p0 [hbm:s0], s1  }
0x144: {  	s0 =	simm.s32 @!p0 $0x9  }
0x145: {  	_ =	swait.ge @!p0 [sflag:s0], s1  }
0x146: {  	s1 =	ssub.s32 @!p0 $0x0, s1;
	[sflag:s0] =	ssyncset.done @!p0 $0x0  }
0x147: {  	[sflag:s0] =	ssyncadd.s32 @!p0 s1  }
0x148: {  	[bflag:$0x3] =	sbarrier.arrive $0xFFFF  }
0x149: {  	_ =	shalt  }

</sc_bundles>
